<compile_context>
chip_gen: v7x
topology: tpu7x:2x2x1
jax: 0.10.2.dev20260603
libtpu: 0.0.44.dev20260713+nightly
codegen_flags: <defaults>
</compile_context>

<pallas_src>
import functools

import jax
import jax.numpy as jnp
from jax import lax
from jax.experimental import pallas as pl
from jax.experimental.pallas import tpu as pltpu
from jax.experimental.pallas import tpu_sc as plsc

VOCAB_SIZE = 1000000
EMBED_DIM = 64
BATCH = 4096
LENGTH = 50

_INFO = plsc.get_sparse_core_info()
NC = _INFO.num_cores
NS = _INFO.num_subcores
NW = NC * NS
B_TOTAL = BATCH * LENGTH
CHUNK = 128
CHUNKS_TOTAL = B_TOTAL // CHUNK
CPW = CHUNKS_TOTAL // NW
BPW = CPW * CHUNK


def _sc_gather(idx_hbm, table_hbm):
    mesh = plsc.VectorSubcoreMesh(core_axis_name="c", subcore_axis_name="s")

    nbuf = 5

    @functools.partial(
        pl.kernel,
        out_type=jax.ShapeDtypeStruct((B_TOTAL, EMBED_DIM), jnp.float32),
        mesh=mesh,
        scratch_types=[
            pltpu.VMEM((BPW,), jnp.int32),
            pltpu.VMEM((nbuf, CHUNK, EMBED_DIM), jnp.float32),
            [pltpu.SemaphoreType.DMA] * nbuf,
            [pltpu.SemaphoreType.DMA] * nbuf,
        ],
        compiler_params=pltpu.CompilerParams(use_tc_tiling_on_sc=False),
    )
    def k(idx_ref, table_ref, out_ref, idx_v, rows, gsems, ssems):
        wid = lax.axis_index("s") * NC + lax.axis_index("c")
        base = wid * BPW
        pltpu.sync_copy(idx_ref.at[pl.ds(base, BPW)], idx_v)

        def gather(c, b):
            chunk_idx = idx_v.at[pl.ds(c * CHUNK, CHUNK)]
            pltpu.async_copy(table_ref.at[chunk_idx], rows.at[b], gsems[b])

        def out_slice(c):
            return out_ref.at[pl.ds(base + c * CHUNK, CHUNK)]

        def wait_gather(b):
            pltpu.make_async_copy(
                table_ref.at[pl.ds(0, CHUNK)], rows.at[b], gsems[b]
            ).wait()

        def wait_scatter(b):
            pltpu.make_async_copy(rows.at[b], out_slice(0), ssems[b]).wait()

        for b in range(nbuf):
            gather(b, b)

        @pl.loop(0, CPW - nbuf, step=nbuf)
        def pipelined(j):
            for b in range(nbuf):
                wait_gather(b)
                pltpu.async_copy(rows.at[b], out_slice(j + b), ssems[b])
            for b in range(nbuf):
                wait_scatter(b)
                gather(j + nbuf + b, b)

        for b in range(nbuf):
            wait_gather(b)
            pltpu.async_copy(rows.at[b], out_slice(CPW - nbuf + b), ssems[b])
        for b in range(nbuf):
            wait_scatter(b)

    return k(idx_hbm, table_hbm)


def kernel(src_sents, weight):
    idx = src_sents.astype(jnp.int32).T.reshape(B_TOTAL)
    out = _sc_gather(idx, weight)
    return out.reshape(LENGTH, BATCH, EMBED_DIM).transpose(1, 0, 2)

# --- scband reference (transcript-rebuilt; emitter-appended) ---
"""Pipeline reference for scband-encoder-82300163326192 (READ-ONLY COPY).

The authoritative reference and input builder live on the scoring server;
editing this copy changes nothing except your own understanding.
"""

import jax, jax.numpy as jnp
import numpy as np

VOCAB_SIZE = 1000000
EMBED_DIM = 64
PADDING_IDX = 0
BATCH = 4096
LENGTH = 50


def setup_inputs(seed: int = 0) -> dict:
    key = jax.random.key(seed)
    k_idx, k_w = jax.random.split(key)
    src_sents = jax.random.randint(k_idx, (BATCH, LENGTH), 0, VOCAB_SIZE, dtype=jnp.int64 if jax.config.jax_enable_x64 else jnp.int32)
    # nn.init.uniform_(self.embed.weight, -0.1, 0.1), padding row zeroed
    weight = jax.random.uniform(k_w, (VOCAB_SIZE, EMBED_DIM), dtype=jnp.float32, minval=-0.1, maxval=0.1)
    weight = weight.at[PADDING_IDX].set(0.0)
    return {"src_sents": src_sents, "weight": weight}


def reference(src_sents, weight):
    # Encoder embedding lookup: self.embed(src_sents)
    # -> [batch, length, embed_dim]
    emb = jnp.take(weight, src_sents, axis=0)
    return emb

if __name__ == "__main__":
    import jax
    _d = setup_inputs()
    print(jax.jit(kernel)(*tuple(_d.values())))

</pallas_src>

<mosaic_0001>
#map = affine_map<(d0, d1) -> (0)>
#map1 = affine_map<(d0, d1) -> (0, 0)>
module attributes {stable_mosaic.version = 14 : i64} {
  func.func @k(%arg0: i32, %arg1: i32, %arg2: memref<204800xi32, #tpu.memory_space<hbm>>, %arg3: memref<1000000x64xf32, #tpu.memory_space<hbm>>, %arg4: memref<204800x64xf32, #tpu.memory_space<hbm>>, %arg5: memref<6400xi32, #tpu.memory_space<vmem>>, %arg6: memref<5x128x64xf32, #tpu.memory_space<vmem>>, %arg7: memref<!tpu.dma_semaphore, #tpu.memory_space<semaphore_mem>>, %arg8: memref<!tpu.dma_semaphore, #tpu.memory_space<semaphore_mem>>, %arg9: memref<!tpu.dma_semaphore, #tpu.memory_space<semaphore_mem>>, %arg10: memref<!tpu.dma_semaphore, #tpu.memory_space<semaphore_mem>>, %arg11: memref<!tpu.dma_semaphore, #tpu.memory_space<semaphore_mem>>, %arg12: memref<!tpu.dma_semaphore, #tpu.memory_space<semaphore_mem>>, %arg13: memref<!tpu.dma_semaphore, #tpu.memory_space<semaphore_mem>>, %arg14: memref<!tpu.dma_semaphore, #tpu.memory_space<semaphore_mem>>, %arg15: memref<!tpu.dma_semaphore, #tpu.memory_space<semaphore_mem>>, %arg16: memref<!tpu.dma_semaphore, #tpu.memory_space<semaphore_mem>>) attributes {dimension_semantics = [#tpu.dimension_semantics<core_parallel>, #tpu.dimension_semantics<subcore_parallel>], iteration_bounds = array<i64: 2, 16>, scalar_prefetch = 0 : i64, scratch_operands = 12 : i64, tpu.core_type = #tpu.core_type<sc_vector_subcore>, window_params = [{transform_indices = #map}, {transform_indices = #map1}, {transform_indices = #map1}]} {
    %mul3A = arith.constant 2 : i32
    %mul3A_0 = arith.muli %arg1, %mul3A : i32
    %add3A = arith.addi %mul3A_0, %arg0 : i32
    %mul3A_1 = arith.constant 6400 : i32
    %mul3A_2 = arith.muli %add3A, %mul3A_1 : i32
    "tpu.region"() ({
      %run_scoped3A = tpu.sem_alloc : memref<!tpu.dma_semaphore, #tpu.memory_space<semaphore_mem>>
      %dma_start3A_280 = tpu.memref_slice %arg2[%mul3A_2] : memref<204800xi32, #tpu.memory_space<hbm>> -> memref<6400xi32, #tpu.memory_space<hbm>>
      %dma_start3A_281 = tpu.memref_slice %arg2[%mul3A_2] : memref<204800xi32, #tpu.memory_space<hbm>> -> memref<6400xi32, #tpu.memory_space<hbm>>
      tpu.enqueue_dma source(%dma_start3A_281 : memref<6400xi32, #tpu.memory_space<hbm>>) target(%arg5 : memref<6400xi32, #tpu.memory_space<vmem>>) target_semaphore(%run_scoped3A : memref<!tpu.dma_semaphore, #tpu.memory_space<semaphore_mem>>)
      %dma_wait3A_282 = tpu.memref_slice %arg2[%mul3A_2] : memref<204800xi32, #tpu.memory_space<hbm>> -> memref<6400xi32, #tpu.memory_space<hbm>>
      %dma_wait3A_283 = tpu.memref_slice %arg2[%mul3A_2] : memref<204800xi32, #tpu.memory_space<hbm>> -> memref<6400xi32, #tpu.memory_space<hbm>>
      tpu.wait_dma2 semaphore(%run_scoped3A : memref<!tpu.dma_semaphore, #tpu.memory_space<semaphore_mem>>) src(%dma_wait3A_283 : memref<6400xi32, #tpu.memory_space<hbm>>) dst(%arg5 : memref<6400xi32, #tpu.memory_space<vmem>>)
      tpu.yield
    }) : () -> ()
    %dma_start3A = arith.constant 0 : i32
    %dma_start3A_3 = arith.constant 0 : i32
    %dma_start3A_4 = arith.constant 0 : i32
    %dma_start3A_5 = tpu.memref_slice %arg6[%dma_start3A, %dma_start3A_3, %dma_start3A_4] : memref<5x128x64xf32, #tpu.memory_space<vmem>> -> memref<1x128x64xf32, #tpu.memory_space<vmem>>
    %dma_start3A_6 = tpu.memref_squeeze %dma_start3A_5 : memref<1x128x64xf32, #tpu.memory_space<vmem>> -> memref<128x64xf32, #tpu.memory_space<vmem>>
    %dma_start3A_7 = arith.constant 0 : i32
    %dma_start3A_8 = tpu.memref_slice %arg5[%dma_start3A_7] : memref<6400xi32, #tpu.memory_space<vmem>> -> memref<128xi32, #tpu.memory_space<vmem>>
    %dma_start3A_9 = arith.constant 0 : i32
    %dma_start3A_10 = arith.constant 0 : i32
    %dma_start3A_11 = tpu.memref_slice %arg3[%dma_start3A_9, %dma_start3A_10] : memref<1000000x64xf32, #tpu.memory_space<hbm>> -> memref<1000000x64xf32, #tpu.memory_space<hbm>>
    tpu.enqueue_indirect_dma source(%dma_start3A_11 : memref<1000000x64xf32, #tpu.memory_space<hbm>>) target(%dma_start3A_6 : memref<128x64xf32, #tpu.memory_space<vmem>>) offsets(%dma_start3A_8 : memref<128xi32, #tpu.memory_space<vmem>>) semaphore(%arg7 : memref<!tpu.dma_semaphore, #tpu.memory_space<semaphore_mem>>)
    %dma_start3A_12 = arith.constant 1 : i32
    %dma_start3A_13 = arith.constant 0 : i32
    %dma_start3A_14 = arith.constant 0 : i32
    %dma_start3A_15 = tpu.memref_slice %arg6[%dma_start3A_12, %dma_start3A_13, %dma_start3A_14] : memref<5x128x64xf32, #tpu.memory_space<vmem>> -> memref<1x128x64xf32, #tpu.memory_space<vmem>>
    %dma_start3A_16 = tpu.memref_squeeze %dma_start3A_15 : memref<1x128x64xf32, #tpu.memory_space<vmem>> -> memref<128x64xf32, #tpu.memory_space<vmem>>
    %dma_start3A_17 = arith.constant 128 : i32
    %dma_start3A_18 = tpu.memref_slice %arg5[%dma_start3A_17] : memref<6400xi32, #tpu.memory_space<vmem>> -> memref<128xi32, #tpu.memory_space<vmem>>
    %dma_start3A_19 = arith.constant 0 : i32
    %dma_start3A_20 = arith.constant 0 : i32
    %dma_start3A_21 = tpu.memref_slice %arg3[%dma_start3A_19, %dma_start3A_20] : memref<1000000x64xf32, #tpu.memory_space<hbm>> -> memref<1000000x64xf32, #tpu.memory_space<hbm>>
    tpu.enqueue_indirect_dma source(%dma_start3A_21 : memref<1000000x64xf32, #tpu.memory_space<hbm>>) target(%dma_start3A_16 : memref<128x64xf32, #tpu.memory_space<vmem>>) offsets(%dma_start3A_18 : memref<128xi32, #tpu.memory_space<vmem>>) semaphore(%arg8 : memref<!tpu.dma_semaphore, #tpu.memory_space<semaphore_mem>>)
    %dma_start3A_22 = arith.constant 2 : i32
    %dma_start3A_23 = arith.constant 0 : i32
    %dma_start3A_24 = arith.constant 0 : i32
    %dma_start3A_25 = tpu.memref_slice %arg6[%dma_start3A_22, %dma_start3A_23, %dma_start3A_24] : memref<5x128x64xf32, #tpu.memory_space<vmem>> -> memref<1x128x64xf32, #tpu.memory_space<vmem>>
    %dma_start3A_26 = tpu.memref_squeeze %dma_start3A_25 : memref<1x128x64xf32, #tpu.memory_space<vmem>> -> memref<128x64xf32, #tpu.memory_space<vmem>>
    %dma_start3A_27 = arith.constant 256 : i32
    %dma_start3A_28 = tpu.memref_slice %arg5[%dma_start3A_27] : memref<6400xi32, #tpu.memory_space<vmem>> -> memref<128xi32, #tpu.memory_space<vmem>>
    %dma_start3A_29 = arith.constant 0 : i32
    %dma_start3A_30 = arith.constant 0 : i32
    %dma_start3A_31 = tpu.memref_slice %arg3[%dma_start3A_29, %dma_start3A_30] : memref<1000000x64xf32, #tpu.memory_space<hbm>> -> memref<1000000x64xf32, #tpu.memory_space<hbm>>
    tpu.enqueue_indirect_dma source(%dma_start3A_31 : memref<1000000x64xf32, #tpu.memory_space<hbm>>) target(%dma_start3A_26 : memref<128x64xf32, #tpu.memory_space<vmem>>) offsets(%dma_start3A_28 : memref<128xi32, #tpu.memory_space<vmem>>) semaphore(%arg9 : memref<!tpu.dma_semaphore, #tpu.memory_space<semaphore_mem>>)
    %dma_start3A_32 = arith.constant 3 : i32
    %dma_start3A_33 = arith.constant 0 : i32
    %dma_start3A_34 = arith.constant 0 : i32
    %dma_start3A_35 = tpu.memref_slice %arg6[%dma_start3A_32, %dma_start3A_33, %dma_start3A_34] : memref<5x128x64xf32, #tpu.memory_space<vmem>> -> memref<1x128x64xf32, #tpu.memory_space<vmem>>
    %dma_start3A_36 = tpu.memref_squeeze %dma_start3A_35 : memref<1x128x64xf32, #tpu.memory_space<vmem>> -> memref<128x64xf32, #tpu.memory_space<vmem>>
    %dma_start3A_37 = arith.constant 384 : i32
    %dma_start3A_38 = tpu.memref_slice %arg5[%dma_start3A_37] : memref<6400xi32, #tpu.memory_space<vmem>> -> memref<128xi32, #tpu.memory_space<vmem>>
    %dma_start3A_39 = arith.constant 0 : i32
    %dma_start3A_40 = arith.constant 0 : i32
    %dma_start3A_41 = tpu.memref_slice %arg3[%dma_start3A_39, %dma_start3A_40] : memref<1000000x64xf32, #tpu.memory_space<hbm>> -> memref<1000000x64xf32, #tpu.memory_space<hbm>>
    tpu.enqueue_indirect_dma source(%dma_start3A_41 : memref<1000000x64xf32, #tpu.memory_space<hbm>>) target(%dma_start3A_36 : memref<128x64xf32, #tpu.memory_space<vmem>>) offsets(%dma_start3A_38 : memref<128xi32, #tpu.memory_space<vmem>>) semaphore(%arg10 : memref<!tpu.dma_semaphore, #tpu.memory_space<semaphore_mem>>)
    %dma_start3A_42 = arith.constant 4 : i32
    %dma_start3A_43 = arith.constant 0 : i32
    %dma_start3A_44 = arith.constant 0 : i32
    %dma_start3A_45 = tpu.memref_slice %arg6[%dma_start3A_42, %dma_start3A_43, %dma_start3A_44] : memref<5x128x64xf32, #tpu.memory_space<vmem>> -> memref<1x128x64xf32, #tpu.memory_space<vmem>>
    %dma_start3A_46 = tpu.memref_squeeze %dma_start3A_45 : memref<1x128x64xf32, #tpu.memory_space<vmem>> -> memref<128x64xf32, #tpu.memory_space<vmem>>
    %dma_start3A_47 = arith.constant 512 : i32
    %dma_start3A_48 = tpu.memref_slice %arg5[%dma_start3A_47] : memref<6400xi32, #tpu.memory_space<vmem>> -> memref<128xi32, #tpu.memory_space<vmem>>
    %dma_start3A_49 = arith.constant 0 : i32
    %dma_start3A_50 = arith.constant 0 : i32
    %dma_start3A_51 = tpu.memref_slice %arg3[%dma_start3A_49, %dma_start3A_50] : memref<1000000x64xf32, #tpu.memory_space<hbm>> -> memref<1000000x64xf32, #tpu.memory_space<hbm>>
    tpu.enqueue_indirect_dma source(%dma_start3A_51 : memref<1000000x64xf32, #tpu.memory_space<hbm>>) target(%dma_start3A_46 : memref<128x64xf32, #tpu.memory_space<vmem>>) offsets(%dma_start3A_48 : memref<128xi32, #tpu.memory_space<vmem>>) semaphore(%arg11 : memref<!tpu.dma_semaphore, #tpu.memory_space<semaphore_mem>>)
    %scan3A = arith.constant 0 : i32
    %scan3A_52 = arith.constant 9 : i32
    %scan3A_53 = arith.addi %scan3A, %scan3A_52 : i32
    %scan3A_54 = arith.constant 1 : i32
    scf.for %scan3A_280 = %scan3A to %scan3A_53 step %scan3A_54  : i32 {
      %mul3A_281 = arith.constant 5 : i32
      %mul3A_282 = arith.muli %scan3A_280, %mul3A_281 : i32
      %add3A_283 = arith.constant 0 : i32
      %add3A_284 = arith.addi %add3A_283, %mul3A_282 : i32
      %dma_wait3A_285 = arith.constant 0 : i32
      %dma_wait3A_286 = arith.constant 0 : i32
      %dma_wait3A_287 = arith.constant 0 : i32
      %dma_wait3A_288 = tpu.memref_slice %arg6[%dma_wait3A_285, %dma_wait3A_286, %dma_wait3A_287] : memref<5x128x64xf32, #tpu.memory_space<vmem>> -> memref<1x128x64xf32, #tpu.memory_space<vmem>>
      %dma_wait3A_289 = tpu.memref_squeeze %dma_wait3A_288 : memref<1x128x64xf32, #tpu.memory_space<vmem>> -> memref<128x64xf32, #tpu.memory_space<vmem>>
      %dma_wait3A_290 = arith.constant 0 : i32
      %dma_wait3A_291 = arith.constant 0 : i32
      %dma_wait3A_292 = tpu.memref_slice %arg3[%dma_wait3A_290, %dma_wait3A_291] : memref<1000000x64xf32, #tpu.memory_space<hbm>> -> memref<128x64xf32, #tpu.memory_space<hbm>>
      %dma_wait3A_293 = arith.constant 0 : i32
      %dma_wait3A_294 = arith.constant 0 : i32
      %dma_wait3A_295 = tpu.memref_slice %arg6[%dma_wait3A_285, %dma_wait3A_293, %dma_wait3A_294] : memref<5x128x64xf32, #tpu.memory_space<vmem>> -> memref<1x128x64xf32, #tpu.memory_space<vmem>>
      %dma_wait3A_296 = tpu.memref_squeeze %dma_wait3A_295 : memref<1x128x64xf32, #tpu.memory_space<vmem>> -> memref<128x64xf32, #tpu.memory_space<vmem>>
      %dma_wait3A_297 = arith.constant 0 : i32
      %dma_wait3A_298 = arith.constant 0 : i32
      %dma_wait3A_299 = tpu.memref_slice %arg3[%dma_wait3A_297, %dma_wait3A_298] : memref<1000000x64xf32, #tpu.memory_space<hbm>> -> memref<128x64xf32, #tpu.memory_space<hbm>>
      tpu.wait_dma2 semaphore(%arg7 : memref<!tpu.dma_semaphore, #tpu.memory_space<semaphore_mem>>) src(%dma_wait3A_299 : memref<128x64xf32, #tpu.memory_space<hbm>>) dst(%dma_wait3A_296 : memref<128x64xf32, #tpu.memory_space<vmem>>)
      %add3A_300 = arith.constant 0 : i32
      %add3A_301 = arith.addi %add3A_284, %add3A_300 : i32
      %mul3A_302 = arith.constant 128 : i32
      %mul3A_303 = arith.muli %add3A_301, %mul3A_302 : i32
      %add3A_304 = arith.addi %mul3A_2, %mul3A_303 : i32
      %dma_start3A_305 = arith.constant 0 : i32
      %dma_start3A_306 = arith.constant 0 : i32
      %dma_start3A_307 = arith.constant 0 : i32
      %dma_start3A_308 = tpu.memref_slice %arg6[%dma_start3A_305, %dma_start3A_306, %dma_start3A_307] : memref<5x128x64xf32, #tpu.memory_space<vmem>> -> memref<1x128x64xf32, #tpu.memory_space<vmem>>
      %dma_start3A_309 = tpu.memref_squeeze %dma_start3A_308 : memref<1x128x64xf32, #tpu.memory_space<vmem>> -> memref<128x64xf32, #tpu.memory_space<vmem>>
      %dma_start3A_310 = arith.constant 0 : i32
      %dma_start3A_311 = tpu.memref_slice %arg4[%add3A_304, %dma_start3A_310] : memref<204800x64xf32, #tpu.memory_space<hbm>> -> memref<128x64xf32, #tpu.memory_space<hbm>>
      %dma_start3A_312 = arith.constant 0 : i32
      %dma_start3A_313 = tpu.memref_slice %arg4[%add3A_304, %dma_start3A_312] : memref<204800x64xf32, #tpu.memory_space<hbm>> -> memref<128x64xf32, #tpu.memory_space<hbm>>
      %dma_start3A_314 = arith.constant 0 : i32
      %dma_start3A_315 = arith.constant 0 : i32
      %dma_start3A_316 = tpu.memref_slice %arg6[%dma_start3A_305, %dma_start3A_314, %dma_start3A_315] : memref<5x128x64xf32, #tpu.memory_space<vmem>> -> memref<1x128x64xf32, #tpu.memory_space<vmem>>
      %dma_start3A_317 = tpu.memref_squeeze %dma_start3A_316 : memref<1x128x64xf32, #tpu.memory_space<vmem>> -> memref<128x64xf32, #tpu.memory_space<vmem>>
      tpu.enqueue_dma source(%dma_start3A_317 : memref<128x64xf32, #tpu.memory_space<vmem>>) target(%dma_start3A_313 : memref<128x64xf32, #tpu.memory_space<hbm>>) target_semaphore(%arg12 : memref<!tpu.dma_semaphore, #tpu.memory_space<semaphore_mem>>)
      %dma_wait3A_318 = arith.constant 1 : i32
      %dma_wait3A_319 = arith.constant 0 : i32
      %dma_wait3A_320 = arith.constant 0 : i32
      %dma_wait3A_321 = tpu.memref_slice %arg6[%dma_wait3A_318, %dma_wait3A_319, %dma_wait3A_320] : memref<5x128x64xf32, #tpu.memory_space<vmem>> -> memref<1x128x64xf32, #tpu.memory_space<vmem>>
      %dma_wait3A_322 = tpu.memref_squeeze %dma_wait3A_321 : memref<1x128x64xf32, #tpu.memory_space<vmem>> -> memref<128x64xf32, #tpu.memory_space<vmem>>
      %dma_wait3A_323 = arith.constant 0 : i32
      %dma_wait3A_324 = arith.constant 0 : i32
      %dma_wait3A_325 = tpu.memref_slice %arg3[%dma_wait3A_323, %dma_wait3A_324] : memref<1000000x64xf32, #tpu.memory_space<hbm>> -> memref<128x64xf32, #tpu.memory_space<hbm>>
      %dma_wait3A_326 = arith.constant 0 : i32
      %dma_wait3A_327 = arith.constant 0 : i32
      %dma_wait3A_328 = tpu.memref_slice %arg6[%dma_wait3A_318, %dma_wait3A_326, %dma_wait3A_327] : memref<5x128x64xf32, #tpu.memory_space<vmem>> -> memref<1x128x64xf32, #tpu.memory_space<vmem>>
      %dma_wait3A_329 = tpu.memref_squeeze %dma_wait3A_328 : memref<1x128x64xf32, #tpu.memory_space<vmem>> -> memref<128x64xf32, #tpu.memory_space<vmem>>
      %dma_wait3A_330 = arith.constant 0 : i32
      %dma_wait3A_331 = arith.constant 0 : i32
      %dma_wait3A_332 = tpu.memref_slice %arg3[%dma_wait3A_330, %dma_wait3A_331] : memref<1000000x64xf32, #tpu.memory_space<hbm>> -> memref<128x64xf32, #tpu.memory_space<hbm>>
      tpu.wait_dma2 semaphore(%arg8 : memref<!tpu.dma_semaphore, #tpu.memory_space<semaphore_mem>>) src(%dma_wait3A_332 : memref<128x64xf32, #tpu.memory_space<hbm>>) dst(%dma_wait3A_329 : memref<128x64xf32, #tpu.memory_space<vmem>>)
      %add3A_333 = arith.constant 1 : i32
      %add3A_334 = arith.addi %add3A_284, %add3A_333 : i32
      %mul3A_335 = arith.constant 128 : i32
      %mul3A_336 = arith.muli %add3A_334, %mul3A_335 : i32
      %add3A_337 = arith.addi %mul3A_2, %mul3A_336 : i32
      %dma_start3A_338 = arith.constant 1 : i32
      %dma_start3A_339 = arith.constant 0 : i32
      %dma_start3A_340 = arith.constant 0 : i32
      %dma_start3A_341 = tpu.memref_slice %arg6[%dma_start3A_338, %dma_start3A_339, %dma_start3A_340] : memref<5x128x64xf32, #tpu.memory_space<vmem>> -> memref<1x128x64xf32, #tpu.memory_space<vmem>>
      %dma_start3A_342 = tpu.memref_squeeze %dma_start3A_341 : memref<1x128x64xf32, #tpu.memory_space<vmem>> -> memref<128x64xf32, #tpu.memory_space<vmem>>
      %dma_start3A_343 = arith.constant 0 : i32
      %dma_start3A_344 = tpu.memref_slice %arg4[%add3A_337, %dma_start3A_343] : memref<204800x64xf32, #tpu.memory_space<hbm>> -> memref<128x64xf32, #tpu.memory_space<hbm>>
      %dma_start3A_345 = arith.constant 0 : i32
      %dma_start3A_346 = tpu.memref_slice %arg4[%add3A_337, %dma_start3A_345] : memref<204800x64xf32, #tpu.memory_space<hbm>> -> memref<128x64xf32, #tpu.memory_space<hbm>>
      %dma_start3A_347 = arith.constant 0 : i32
      %dma_start3A_348 = arith.constant 0 : i32
      %dma_start3A_349 = tpu.memref_slice %arg6[%dma_start3A_338, %dma_start3A_347, %dma_start3A_348] : memref<5x128x64xf32, #tpu.memory_space<vmem>> -> memref<1x128x64xf32, #tpu.memory_space<vmem>>
      %dma_start3A_350 = tpu.memref_squeeze %dma_start3A_349 : memref<1x128x64xf32, #tpu.memory_space<vmem>> -> memref<128x64xf32, #tpu.memory_space<vmem>>
      tpu.enqueue_dma source(%dma_start3A_350 : memref<128x64xf32, #tpu.memory_space<vmem>>) target(%dma_start3A_346 : memref<128x64xf32, #tpu.memory_space<hbm>>) target_semaphore(%arg13 : memref<!tpu.dma_semaphore, #tpu.memory_space<semaphore_mem>>)
      %dma_wait3A_351 = arith.constant 2 : i32
      %dma_wait3A_352 = arith.constant 0 : i32
      %dma_wait3A_353 = arith.constant 0 : i32
      %dma_wait3A_354 = tpu.memref_slice %arg6[%dma_wait3A_351, %dma_wait3A_352, %dma_wait3A_353] : memref<5x128x64xf32, #tpu.memory_space<vmem>> -> memref<1x128x64xf32, #tpu.memory_space<vmem>>
      %dma_wait3A_355 = tpu.memref_squeeze %dma_wait3A_354 : memref<1x128x64xf32, #tpu.memory_space<vmem>> -> memref<128x64xf32, #tpu.memory_space<vmem>>
      %dma_wait3A_356 = arith.constant 0 : i32
      %dma_wait3A_357 = arith.constant 0 : i32
      %dma_wait3A_358 = tpu.memref_slice %arg3[%dma_wait3A_356, %dma_wait3A_357] : memref<1000000x64xf32, #tpu.memory_space<hbm>> -> memref<128x64xf32, #tpu.memory_space<hbm>>
      %dma_wait3A_359 = arith.constant 0 : i32
      %dma_wait3A_360 = arith.constant 0 : i32
      %dma_wait3A_361 = tpu.memref_slice %arg6[%dma_wait3A_351, %dma_wait3A_359, %dma_wait3A_360] : memref<5x128x64xf32, #tpu.memory_space<vmem>> -> memref<1x128x64xf32, #tpu.memory_space<vmem>>
      %dma_wait3A_362 = tpu.memref_squeeze %dma_wait3A_361 : memref<1x128x64xf32, #tpu.memory_space<vmem>> -> memref<128x64xf32, #tpu.memory_space<vmem>>
      %dma_wait3A_363 = arith.constant 0 : i32
      %dma_wait3A_364 = arith.constant 0 : i32
      %dma_wait3A_365 = tpu.memref_slice %arg3[%dma_wait3A_363, %dma_wait3A_364] : memref<1000000x64xf32, #tpu.memory_space<hbm>> -> memref<128x64xf32, #tpu.memory_space<hbm>>
      tpu.wait_dma2 semaphore(%arg9 : memref<!tpu.dma_semaphore, #tpu.memory_space<semaphore_mem>>) src(%dma_wait3A_365 : memref<128x64xf32, #tpu.memory_space<hbm>>) dst(%dma_wait3A_362 : memref<128x64xf32, #tpu.memory_space<vmem>>)
      %add3A_366 = arith.constant 2 : i32
      %add3A_367 = arith.addi %add3A_284, %add3A_366 : i32
      %mul3A_368 = arith.constant 128 : i32
      %mul3A_369 = arith.muli %add3A_367, %mul3A_368 : i32
      %add3A_370 = arith.addi %mul3A_2, %mul3A_369 : i32
      %dma_start3A_371 = arith.constant 2 : i32
      %dma_start3A_372 = arith.constant 0 : i32
      %dma_start3A_373 = arith.constant 0 : i32
      %dma_start3A_374 = tpu.memref_slice %arg6[%dma_start3A_371, %dma_start3A_372, %dma_start3A_373] : memref<5x128x64xf32, #tpu.memory_space<vmem>> -> memref<1x128x64xf32, #tpu.memory_space<vmem>>
      %dma_start3A_375 = tpu.memref_squeeze %dma_start3A_374 : memref<1x128x64xf32, #tpu.memory_space<vmem>> -> memref<128x64xf32, #tpu.memory_space<vmem>>
      %dma_start3A_376 = arith.constant 0 : i32
      %dma_start3A_377 = tpu.memref_slice %arg4[%add3A_370, %dma_start3A_376] : memref<204800x64xf32, #tpu.memory_space<hbm>> -> memref<128x64xf32, #tpu.memory_space<hbm>>
      %dma_start3A_378 = arith.constant 0 : i32
      %dma_start3A_379 = tpu.memref_slice %arg4[%add3A_370, %dma_start3A_378] : memref<204800x64xf32, #tpu.memory_space<hbm>> -> memref<128x64xf32, #tpu.memory_space<hbm>>
      %dma_start3A_380 = arith.constant 0 : i32
      %dma_start3A_381 = arith.constant 0 : i32
      %dma_start3A_382 = tpu.memref_slice %arg6[%dma_start3A_371, %dma_start3A_380, %dma_start3A_381] : memref<5x128x64xf32, #tpu.memory_space<vmem>> -> memref<1x128x64xf32, #tpu.memory_space<vmem>>
      %dma_start3A_383 = tpu.memref_squeeze %dma_start3A_382 : memref<1x128x64xf32, #tpu.memory_space<vmem>> -> memref<128x64xf32, #tpu.memory_space<vmem>>
      tpu.enqueue_dma source(%dma_start3A_383 : memref<128x64xf32, #tpu.memory_space<vmem>>) target(%dma_start3A_379 : memref<128x64xf32, #tpu.memory_space<hbm>>) target_semaphore(%arg14 : memref<!tpu.dma_semaphore, #tpu.memory_space<semaphore_mem>>)
      %dma_wait3A_384 = arith.constant 3 : i32
      %dma_wait3A_385 = arith.constant 0 : i32
      %dma_wait3A_386 = arith.constant 0 : i32
      %dma_wait3A_387 = tpu.memref_slice %arg6[%dma_wait3A_384, %dma_wait3A_385, %dma_wait3A_386] : memref<5x128x64xf32, #tpu.memory_space<vmem>> -> memref<1x128x64xf32, #tpu.memory_space<vmem>>
      %dma_wait3A_388 = tpu.memref_squeeze %dma_wait3A_387 : memref<1x128x64xf32, #tpu.memory_space<vmem>> -> memref<128x64xf32, #tpu.memory_space<vmem>>
      %dma_wait3A_389 = arith.constant 0 : i32
      %dma_wait3A_390 = arith.constant 0 : i32
      %dma_wait3A_391 = tpu.memref_slice %arg3[%dma_wait3A_389, %dma_wait3A_390] : memref<1000000x64xf32, #tpu.memory_space<hbm>> -> memref<128x64xf32, #tpu.memory_space<hbm>>
      %dma_wait3A_392 = arith.constant 0 : i32
      %dma_wait3A_393 = arith.constant 0 : i32
      %dma_wait3A_394 = tpu.memref_slice %arg6[%dma_wait3A_384, %dma_wait3A_392, %dma_wait3A_393] : memref<5x128x64xf32, #tpu.memory_space<vmem>> -> memref<1x128x64xf32, #tpu.memory_space<vmem>>
      %dma_wait3A_395 = tpu.memref_squeeze %dma_wait3A_394 : memref<1x128x64xf32, #tpu.memory_space<vmem>> -> memref<128x64xf32, #tpu.memory_space<vmem>>
      %dma_wait3A_396 = arith.constant 0 : i32
      %dma_wait3A_397 = arith.constant 0 : i32
      %dma_wait3A_398 = tpu.memref_slice %arg3[%dma_wait3A_396, %dma_wait3A_397] : memref<1000000x64xf32, #tpu.memory_space<hbm>> -> memref<128x64xf32, #tpu.memory_space<hbm>>
      tpu.wait_dma2 semaphore(%arg10 : memref<!tpu.dma_semaphore, #tpu.memory_space<semaphore_mem>>) src(%dma_wait3A_398 : memref<128x64xf32, #tpu.memory_space<hbm>>) dst(%dma_wait3A_395 : memref<128x64xf32, #tpu.memory_space<vmem>>)
      %add3A_399 = arith.constant 3 : i32
      %add3A_400 = arith.addi %add3A_284, %add3A_399 : i32
      %mul3A_401 = arith.constant 128 : i32
      %mul3A_402 = arith.muli %add3A_400, %mul3A_401 : i32
      %add3A_403 = arith.addi %mul3A_2, %mul3A_402 : i32
      %dma_start3A_404 = arith.constant 3 : i32
      %dma_start3A_405 = arith.constant 0 : i32
      %dma_start3A_406 = arith.constant 0 : i32
      %dma_start3A_407 = tpu.memref_slice %arg6[%dma_start3A_404, %dma_start3A_405, %dma_start3A_406] : memref<5x128x64xf32, #tpu.memory_space<vmem>> -> memref<1x128x64xf32, #tpu.memory_space<vmem>>
      %dma_start3A_408 = tpu.memref_squeeze %dma_start3A_407 : memref<1x128x64xf32, #tpu.memory_space<vmem>> -> memref<128x64xf32, #tpu.memory_space<vmem>>
      %dma_start3A_409 = arith.constant 0 : i32
      %dma_start3A_410 = tpu.memref_slice %arg4[%add3A_403, %dma_start3A_409] : memref<204800x64xf32, #tpu.memory_space<hbm>> -> memref<128x64xf32, #tpu.memory_space<hbm>>
      %dma_start3A_411 = arith.constant 0 : i32
      %dma_start3A_412 = tpu.memref_slice %arg4[%add3A_403, %dma_start3A_411] : memref<204800x64xf32, #tpu.memory_space<hbm>> -> memref<128x64xf32, #tpu.memory_space<hbm>>
      %dma_start3A_413 = arith.constant 0 : i32
      %dma_start3A_414 = arith.constant 0 : i32
      %dma_start3A_415 = tpu.memref_slice %arg6[%dma_start3A_404, %dma_start3A_413, %dma_start3A_414] : memref<5x128x64xf32, #tpu.memory_space<vmem>> -> memref<1x128x64xf32, #tpu.memory_space<vmem>>
      %dma_start3A_416 = tpu.memref_squeeze %dma_start3A_415 : memref<1x128x64xf32, #tpu.memory_space<vmem>> -> memref<128x64xf32, #tpu.memory_space<vmem>>
      tpu.enqueue_dma source(%dma_start3A_416 : memref<128x64xf32, #tpu.memory_space<vmem>>) target(%dma_start3A_412 : memref<128x64xf32, #tpu.memory_space<hbm>>) target_semaphore(%arg15 : memref<!tpu.dma_semaphore, #tpu.memory_space<semaphore_mem>>)
      %dma_wait3A_417 = arith.constant 4 : i32
      %dma_wait3A_418 = arith.constant 0 : i32
      %dma_wait3A_419 = arith.constant 0 : i32
      %dma_wait3A_420 = tpu.memref_slice %arg6[%dma_wait3A_417, %dma_wait3A_418, %dma_wait3A_419] : memref<5x128x64xf32, #tpu.memory_space<vmem>> -> memref<1x128x64xf32, #tpu.memory_space<vmem>>
      %dma_wait3A_421 = tpu.memref_squeeze %dma_wait3A_420 : memref<1x128x64xf32, #tpu.memory_space<vmem>> -> memref<128x64xf32, #tpu.memory_space<vmem>>
      %dma_wait3A_422 = arith.constant 0 : i32
      %dma_wait3A_423 = arith.constant 0 : i32
      %dma_wait3A_424 = tpu.memref_slice %arg3[%dma_wait3A_422, %dma_wait3A_423] : memref<1000000x64xf32, #tpu.memory_space<hbm>> -> memref<128x64xf32, #tpu.memory_space<hbm>>
      %dma_wait3A_425 = arith.constant 0 : i32
      %dma_wait3A_426 = arith.constant 0 : i32
      %dma_wait3A_427 = tpu.memref_slice %arg6[%dma_wait3A_417, %dma_wait3A_425, %dma_wait3A_426] : memref<5x128x64xf32, #tpu.memory_space<vmem>> -> memref<1x128x64xf32, #tpu.memory_space<vmem>>
      %dma_wait3A_428 = tpu.memref_squeeze %dma_wait3A_427 : memref<1x128x64xf32, #tpu.memory_space<vmem>> -> memref<128x64xf32, #tpu.memory_space<vmem>>
      %dma_wait3A_429 = arith.constant 0 : i32
      %dma_wait3A_430 = arith.constant 0 : i32
      %dma_wait3A_431 = tpu.memref_slice %arg3[%dma_wait3A_429, %dma_wait3A_430] : memref<1000000x64xf32, #tpu.memory_space<hbm>> -> memref<128x64xf32, #tpu.memory_space<hbm>>
      tpu.wait_dma2 semaphore(%arg11 : memref<!tpu.dma_semaphore, #tpu.memory_space<semaphore_mem>>) src(%dma_wait3A_431 : memref<128x64xf32, #tpu.memory_space<hbm>>) dst(%dma_wait3A_428 : memref<128x64xf32, #tpu.memory_space<vmem>>)
      %add3A_432 = arith.constant 4 : i32
      %add3A_433 = arith.addi %add3A_284, %add3A_432 : i32
      %mul3A_434 = arith.constant 128 : i32
      %mul3A_435 = arith.muli %add3A_433, %mul3A_434 : i32
      %add3A_436 = arith.addi %mul3A_2, %mul3A_435 : i32
      %dma_start3A_437 = arith.constant 4 : i32
      %dma_start3A_438 = arith.constant 0 : i32
      %dma_start3A_439 = arith.constant 0 : i32
      %dma_start3A_440 = tpu.memref_slice %arg6[%dma_start3A_437, %dma_start3A_438, %dma_start3A_439] : memref<5x128x64xf32, #tpu.memory_space<vmem>> -> memref<1x128x64xf32, #tpu.memory_space<vmem>>
      %dma_start3A_441 = tpu.memref_squeeze %dma_start3A_440 : memref<1x128x64xf32, #tpu.memory_space<vmem>> -> memref<128x64xf32, #tpu.memory_space<vmem>>
      %dma_start3A_442 = arith.constant 0 : i32
      %dma_start3A_443 = tpu.memref_slice %arg4[%add3A_436, %dma_start3A_442] : memref<204800x64xf32, #tpu.memory_space<hbm>> -> memref<128x64xf32, #tpu.memory_space<hbm>>
      %dma_start3A_444 = arith.constant 0 : i32
      %dma_start3A_445 = tpu.memref_slice %arg4[%add3A_436, %dma_start3A_444] : memref<204800x64xf32, #tpu.memory_space<hbm>> -> memref<128x64xf32, #tpu.memory_space<hbm>>
      %dma_start3A_446 = arith.constant 0 : i32
      %dma_start3A_447 = arith.constant 0 : i32
      %dma_start3A_448 = tpu.memref_slice %arg6[%dma_start3A_437, %dma_start3A_446, %dma_start3A_447] : memref<5x128x64xf32, #tpu.memory_space<vmem>> -> memref<1x128x64xf32, #tpu.memory_space<vmem>>
      %dma_start3A_449 = tpu.memref_squeeze %dma_start3A_448 : memref<1x128x64xf32, #tpu.memory_space<vmem>> -> memref<128x64xf32, #tpu.memory_space<vmem>>
      tpu.enqueue_dma source(%dma_start3A_449 : memref<128x64xf32, #tpu.memory_space<vmem>>) target(%dma_start3A_445 : memref<128x64xf32, #tpu.memory_space<hbm>>) target_semaphore(%arg16 : memref<!tpu.dma_semaphore, #tpu.memory_space<semaphore_mem>>)
      %add3A_450 = arith.constant 0 : i32
      %add3A_451 = arith.addi %mul3A_2, %add3A_450 : i32
      %dma_wait3A_452 = arith.constant 0 : i32
      %dma_wait3A_453 = arith.constant 0 : i32
      %dma_wait3A_454 = arith.constant 0 : i32
      %dma_wait3A_455 = tpu.memref_slice %arg6[%dma_wait3A_452, %dma_wait3A_453, %dma_wait3A_454] : memref<5x128x64xf32, #tpu.memory_space<vmem>> -> memref<1x128x64xf32, #tpu.memory_space<vmem>>
      %dma_wait3A_456 = tpu.memref_squeeze %dma_wait3A_455 : memref<1x128x64xf32, #tpu.memory_space<vmem>> -> memref<128x64xf32, #tpu.memory_space<vmem>>
      %dma_wait3A_457 = arith.constant 0 : i32
      %dma_wait3A_458 = tpu.memref_slice %arg4[%add3A_451, %dma_wait3A_457] : memref<204800x64xf32, #tpu.memory_space<hbm>> -> memref<128x64xf32, #tpu.memory_space<hbm>>
      %dma_wait3A_459 = arith.constant 0 : i32
      %dma_wait3A_460 = tpu.memref_slice %arg4[%add3A_451, %dma_wait3A_459] : memref<204800x64xf32, #tpu.memory_space<hbm>> -> memref<128x64xf32, #tpu.memory_space<hbm>>
      %dma_wait3A_461 = arith.constant 0 : i32
      %dma_wait3A_462 = arith.constant 0 : i32
      %dma_wait3A_463 = tpu.memref_slice %arg6[%dma_wait3A_452, %dma_wait3A_461, %dma_wait3A_462] : memref<5x128x64xf32, #tpu.memory_space<vmem>> -> memref<1x128x64xf32, #tpu.memory_space<vmem>>
      %dma_wait3A_464 = tpu.memref_squeeze %dma_wait3A_463 : memref<1x128x64xf32, #tpu.memory_space<vmem>> -> memref<128x64xf32, #tpu.memory_space<vmem>>
      tpu.wait_dma2 semaphore(%arg12 : memref<!tpu.dma_semaphore, #tpu.memory_space<semaphore_mem>>) src(%dma_wait3A_464 : memref<128x64xf32, #tpu.memory_space<vmem>>) dst(%dma_wait3A_460 : memref<128x64xf32, #tpu.memory_space<hbm>>)
      %add3A_465 = arith.constant 5 : i32
      %add3A_466 = arith.addi %add3A_284, %add3A_465 : i32
      %add3A_467 = arith.constant 0 : i32
      %add3A_468 = arith.addi %add3A_466, %add3A_467 : i32
      %mul3A_469 = arith.constant 128 : i32
      %mul3A_470 = arith.muli %add3A_468, %mul3A_469 : i32
      %dma_start3A_471 = arith.constant 0 : i32
      %dma_start3A_472 = arith.constant 0 : i32
      %dma_start3A_473 = arith.constant 0 : i32
      %dma_start3A_474 = tpu.memref_slice %arg6[%dma_start3A_471, %dma_start3A_472, %dma_start3A_473] : memref<5x128x64xf32, #tpu.memory_space<vmem>> -> memref<1x128x64xf32, #tpu.memory_space<vmem>>
      %dma_start3A_475 = tpu.memref_squeeze %dma_start3A_474 : memref<1x128x64xf32, #tpu.memory_space<vmem>> -> memref<128x64xf32, #tpu.memory_space<vmem>>
      %dma_start3A_476 = tpu.memref_slice %arg5[%mul3A_470] : memref<6400xi32, #tpu.memory_space<vmem>> -> memref<128xi32, #tpu.memory_space<vmem>>
      %dma_start3A_477 = arith.constant 0 : i32
      %dma_start3A_478 = arith.constant 0 : i32
      %dma_start3A_479 = tpu.memref_slice %arg3[%dma_start3A_477, %dma_start3A_478] : memref<1000000x64xf32, #tpu.memory_space<hbm>> -> memref<1000000x64xf32, #tpu.memory_space<hbm>>
      tpu.enqueue_indirect_dma source(%dma_start3A_479 : memref<1000000x64xf32, #tpu.memory_space<hbm>>) target(%dma_start3A_475 : memref<128x64xf32, #tpu.memory_space<vmem>>) offsets(%dma_start3A_476 : memref<128xi32, #tpu.memory_space<vmem>>) semaphore(%arg7 : memref<!tpu.dma_semaphore, #tpu.memory_space<semaphore_mem>>)
      %add3A_480 = arith.constant 0 : i32
      %add3A_481 = arith.addi %mul3A_2, %add3A_480 : i32
      %dma_wait3A_482 = arith.constant 1 : i32
      %dma_wait3A_483 = arith.constant 0 : i32
      %dma_wait3A_484 = arith.constant 0 : i32
      %dma_wait3A_485 = tpu.memref_slice %arg6[%dma_wait3A_482, %dma_wait3A_483, %dma_wait3A_484] : memref<5x128x64xf32, #tpu.memory_space<vmem>> -> memref<1x128x64xf32, #tpu.memory_space<vmem>>
      %dma_wait3A_486 = tpu.memref_squeeze %dma_wait3A_485 : memref<1x128x64xf32, #tpu.memory_space<vmem>> -> memref<128x64xf32, #tpu.memory_space<vmem>>
      %dma_wait3A_487 = arith.constant 0 : i32
      %dma_wait3A_488 = tpu.memref_slice %arg4[%add3A_481, %dma_wait3A_487] : memref<204800x64xf32, #tpu.memory_space<hbm>> -> memref<128x64xf32, #tpu.memory_space<hbm>>
      %dma_wait3A_489 = arith.constant 0 : i32
      %dma_wait3A_490 = tpu.memref_slice %arg4[%add3A_481, %dma_wait3A_489] : memref<204800x64xf32, #tpu.memory_space<hbm>> -> memref<128x64xf32, #tpu.memory_space<hbm>>
      %dma_wait3A_491 = arith.constant 0 : i32
      %dma_wait3A_492 = arith.constant 0 : i32
      %dma_wait3A_493 = tpu.memref_slice %arg6[%dma_wait3A_482, %dma_wait3A_491, %dma_wait3A_492] : memref<5x128x64xf32, #tpu.memory_space<vmem>> -> memref<1x128x64xf32, #tpu.memory_space<vmem>>
      %dma_wait3A_494 = tpu.memref_squeeze %dma_wait3A_493 : memref<1x128x64xf32, #tpu.memory_space<vmem>> -> memref<128x64xf32, #tpu.memory_space<vmem>>
      tpu.wait_dma2 semaphore(%arg13 : memref<!tpu.dma_semaphore, #tpu.memory_space<semaphore_mem>>) src(%dma_wait3A_494 : memref<128x64xf32, #tpu.memory_space<vmem>>) dst(%dma_wait3A_490 : memref<128x64xf32, #tpu.memory_space<hbm>>)
      %add3A_495 = arith.constant 5 : i32
      %add3A_496 = arith.addi %add3A_284, %add3A_495 : i32
      %add3A_497 = arith.constant 1 : i32
      %add3A_498 = arith.addi %add3A_496, %add3A_497 : i32
      %mul3A_499 = arith.constant 128 : i32
      %mul3A_500 = arith.muli %add3A_498, %mul3A_499 : i32
      %dma_start3A_501 = arith.constant 1 : i32
      %dma_start3A_502 = arith.constant 0 : i32
      %dma_start3A_503 = arith.constant 0 : i32
      %dma_start3A_504 = tpu.memref_slice %arg6[%dma_start3A_501, %dma_start3A_502, %dma_start3A_503] : memref<5x128x64xf32, #tpu.memory_space<vmem>> -> memref<1x128x64xf32, #tpu.memory_space<vmem>>
      %dma_start3A_505 = tpu.memref_squeeze %dma_start3A_504 : memref<1x128x64xf32, #tpu.memory_space<vmem>> -> memref<128x64xf32, #tpu.memory_space<vmem>>
      %dma_start3A_506 = tpu.memref_slice %arg5[%mul3A_500] : memref<6400xi32, #tpu.memory_space<vmem>> -> memref<128xi32, #tpu.memory_space<vmem>>
      %dma_start3A_507 = arith.constant 0 : i32
      %dma_start3A_508 = arith.constant 0 : i32
      %dma_start3A_509 = tpu.memref_slice %arg3[%dma_start3A_507, %dma_start3A_508] : memref<1000000x64xf32, #tpu.memory_space<hbm>> -> memref<1000000x64xf32, #tpu.memory_space<hbm>>
      tpu.enqueue_indirect_dma source(%dma_start3A_509 : memref<1000000x64xf32, #tpu.memory_space<hbm>>) target(%dma_start3A_505 : memref<128x64xf32, #tpu.memory_space<vmem>>) offsets(%dma_start3A_506 : memref<128xi32, #tpu.memory_space<vmem>>) semaphore(%arg8 : memref<!tpu.dma_semaphore, #tpu.memory_space<semaphore_mem>>)
      %add3A_510 = arith.constant 0 : i32
      %add3A_511 = arith.addi %mul3A_2, %add3A_510 : i32
      %dma_wait3A_512 = arith.constant 2 : i32
      %dma_wait3A_513 = arith.constant 0 : i32
      %dma_wait3A_514 = arith.constant 0 : i32
      %dma_wait3A_515 = tpu.memref_slice %arg6[%dma_wait3A_512, %dma_wait3A_513, %dma_wait3A_514] : memref<5x128x64xf32, #tpu.memory_space<vmem>> -> memref<1x128x64xf32, #tpu.memory_space<vmem>>
      %dma_wait3A_516 = tpu.memref_squeeze %dma_wait3A_515 : memref<1x128x64xf32, #tpu.memory_space<vmem>> -> memref<128x64xf32, #tpu.memory_space<vmem>>
      %dma_wait3A_517 = arith.constant 0 : i32
      %dma_wait3A_518 = tpu.memref_slice %arg4[%add3A_511, %dma_wait3A_517] : memref<204800x64xf32, #tpu.memory_space<hbm>> -> memref<128x64xf32, #tpu.memory_space<hbm>>
      %dma_wait3A_519 = arith.constant 0 : i32
      %dma_wait3A_520 = tpu.memref_slice %arg4[%add3A_511, %dma_wait3A_519] : memref<204800x64xf32, #tpu.memory_space<hbm>> -> memref<128x64xf32, #tpu.memory_space<hbm>>
      %dma_wait3A_521 = arith.constant 0 : i32
      %dma_wait3A_522 = arith.constant 0 : i32
      %dma_wait3A_523 = tpu.memref_slice %arg6[%dma_wait3A_512, %dma_wait3A_521, %dma_wait3A_522] : memref<5x128x64xf32, #tpu.memory_space<vmem>> -> memref<1x128x64xf32, #tpu.memory_space<vmem>>
      %dma_wait3A_524 = tpu.memref_squeeze %dma_wait3A_523 : memref<1x128x64xf32, #tpu.memory_space<vmem>> -> memref<128x64xf32, #tpu.memory_space<vmem>>
      tpu.wait_dma2 semaphore(%arg14 : memref<!tpu.dma_semaphore, #tpu.memory_space<semaphore_mem>>) src(%dma_wait3A_524 : memref<128x64xf32, #tpu.memory_space<vmem>>) dst(%dma_wait3A_520 : memref<128x64xf32, #tpu.memory_space<hbm>>)
      %add3A_525 = arith.constant 5 : i32
      %add3A_526 = arith.addi %add3A_284, %add3A_525 : i32
      %add3A_527 = arith.constant 2 : i32
      %add3A_528 = arith.addi %add3A_526, %add3A_527 : i32
      %mul3A_529 = arith.constant 128 : i32
      %mul3A_530 = arith.muli %add3A_528, %mul3A_529 : i32
      %dma_start3A_531 = arith.constant 2 : i32
      %dma_start3A_532 = arith.constant 0 : i32
      %dma_start3A_533 = arith.constant 0 : i32
      %dma_start3A_534 = tpu.memref_slice %arg6[%dma_start3A_531, %dma_start3A_532, %dma_start3A_533] : memref<5x128x64xf32, #tpu.memory_space<vmem>> -> memref<1x128x64xf32, #tpu.memory_space<vmem>>
      %dma_start3A_535 = tpu.memref_squeeze %dma_start3A_534 : memref<1x128x64xf32, #tpu.memory_space<vmem>> -> memref<128x64xf32, #tpu.memory_space<vmem>>
      %dma_start3A_536 = tpu.memref_slice %arg5[%mul3A_530] : memref<6400xi32, #tpu.memory_space<vmem>> -> memref<128xi32, #tpu.memory_space<vmem>>
      %dma_start3A_537 = arith.constant 0 : i32
      %dma_start3A_538 = arith.constant 0 : i32
      %dma_start3A_539 = tpu.memref_slice %arg3[%dma_start3A_537, %dma_start3A_538] : memref<1000000x64xf32, #tpu.memory_space<hbm>> -> memref<1000000x64xf32, #tpu.memory_space<hbm>>
      tpu.enqueue_indirect_dma source(%dma_start3A_539 : memref<1000000x64xf32, #tpu.memory_space<hbm>>) target(%dma_start3A_535 : memref<128x64xf32, #tpu.memory_space<vmem>>) offsets(%dma_start3A_536 : memref<128xi32, #tpu.memory_space<vmem>>) semaphore(%arg9 : memref<!tpu.dma_semaphore, #tpu.memory_space<semaphore_mem>>)
      %add3A_540 = arith.constant 0 : i32
      %add3A_541 = arith.addi %mul3A_2, %add3A_540 : i32
      %dma_wait3A_542 = arith.constant 3 : i32
      %dma_wait3A_543 = arith.constant 0 : i32
      %dma_wait3A_544 = arith.constant 0 : i32
      %dma_wait3A_545 = tpu.memref_slice %arg6[%dma_wait3A_542, %dma_wait3A_543, %dma_wait3A_544] : memref<5x128x64xf32, #tpu.memory_space<vmem>> -> memref<1x128x64xf32, #tpu.memory_space<vmem>>
      %dma_wait3A_546 = tpu.memref_squeeze %dma_wait3A_545 : memref<1x128x64xf32, #tpu.memory_space<vmem>> -> memref<128x64xf32, #tpu.memory_space<vmem>>
      %dma_wait3A_547 = arith.constant 0 : i32
      %dma_wait3A_548 = tpu.memref_slice %arg4[%add3A_541, %dma_wait3A_547] : memref<204800x64xf32, #tpu.memory_space<hbm>> -> memref<128x64xf32, #tpu.memory_space<hbm>>
      %dma_wait3A_549 = arith.constant 0 : i32
      %dma_wait3A_550 = tpu.memref_slice %arg4[%add3A_541, %dma_wait3A_549] : memref<204800x64xf32, #tpu.memory_space<hbm>> -> memref<128x64xf32, #tpu.memory_space<hbm>>
      %dma_wait3A_551 = arith.constant 0 : i32
      %dma_wait3A_552 = arith.constant 0 : i32
      %dma_wait3A_553 = tpu.memref_slice %arg6[%dma_wait3A_542, %dma_wait3A_551, %dma_wait3A_552] : memref<5x128x64xf32, #tpu.memory_space<vmem>> -> memref<1x128x64xf32, #tpu.memory_space<vmem>>
      %dma_wait3A_554 = tpu.memref_squeeze %dma_wait3A_553 : memref<1x128x64xf32, #tpu.memory_space<vmem>> -> memref<128x64xf32, #tpu.memory_space<vmem>>
      tpu.wait_dma2 semaphore(%arg15 : memref<!tpu.dma_semaphore, #tpu.memory_space<semaphore_mem>>) src(%dma_wait3A_554 : memref<128x64xf32, #tpu.memory_space<vmem>>) dst(%dma_wait3A_550 : memref<128x64xf32, #tpu.memory_space<hbm>>)
      %add3A_555 = arith.constant 5 : i32
      %add3A_556 = arith.addi %add3A_284, %add3A_555 : i32
      %add3A_557 = arith.constant 3 : i32
      %add3A_558 = arith.addi %add3A_556, %add3A_557 : i32
      %mul3A_559 = arith.constant 128 : i32
      %mul3A_560 = arith.muli %add3A_558, %mul3A_559 : i32
      %dma_start3A_561 = arith.constant 3 : i32
      %dma_start3A_562 = arith.constant 0 : i32
      %dma_start3A_563 = arith.constant 0 : i32
      %dma_start3A_564 = tpu.memref_slice %arg6[%dma_start3A_561, %dma_start3A_562, %dma_start3A_563] : memref<5x128x64xf32, #tpu.memory_space<vmem>> -> memref<1x128x64xf32, #tpu.memory_space<vmem>>
      %dma_start3A_565 = tpu.memref_squeeze %dma_start3A_564 : memref<1x128x64xf32, #tpu.memory_space<vmem>> -> memref<128x64xf32, #tpu.memory_space<vmem>>
      %dma_start3A_566 = tpu.memref_slice %arg5[%mul3A_560] : memref<6400xi32, #tpu.memory_space<vmem>> -> memref<128xi32, #tpu.memory_space<vmem>>
      %dma_start3A_567 = arith.constant 0 : i32
      %dma_start3A_568 = arith.constant 0 : i32
      %dma_start3A_569 = tpu.memref_slice %arg3[%dma_start3A_567, %dma_start3A_568] : memref<1000000x64xf32, #tpu.memory_space<hbm>> -> memref<1000000x64xf32, #tpu.memory_space<hbm>>
      tpu.enqueue_indirect_dma source(%dma_start3A_569 : memref<1000000x64xf32, #tpu.memory_space<hbm>>) target(%dma_start3A_565 : memref<128x64xf32, #tpu.memory_space<vmem>>) offsets(%dma_start3A_566 : memref<128xi32, #tpu.memory_space<vmem>>) semaphore(%arg10 : memref<!tpu.dma_semaphore, #tpu.memory_space<semaphore_mem>>)
      %add3A_570 = arith.constant 0 : i32
      %add3A_571 = arith.addi %mul3A_2, %add3A_570 : i32
      %dma_wait3A_572 = arith.constant 4 : i32
      %dma_wait3A_573 = arith.constant 0 : i32
      %dma_wait3A_574 = arith.constant 0 : i32
      %dma_wait3A_575 = tpu.memref_slice %arg6[%dma_wait3A_572, %dma_wait3A_573, %dma_wait3A_574] : memref<5x128x64xf32, #tpu.memory_space<vmem>> -> memref<1x128x64xf32, #tpu.memory_space<vmem>>
      %dma_wait3A_576 = tpu.memref_squeeze %dma_wait3A_575 : memref<1x128x64xf32, #tpu.memory_space<vmem>> -> memref<128x64xf32, #tpu.memory_space<vmem>>
      %dma_wait3A_577 = arith.constant 0 : i32
      %dma_wait3A_578 = tpu.memref_slice %arg4[%add3A_571, %dma_wait3A_577] : memref<204800x64xf32, #tpu.memory_space<hbm>> -> memref<128x64xf32, #tpu.memory_space<hbm>>
      %dma_wait3A_579 = arith.constant 0 : i32
      %dma_wait3A_580 = tpu.memref_slice %arg4[%add3A_571, %dma_wait3A_579] : memref<204800x64xf32, #tpu.memory_space<hbm>> -> memref<128x64xf32, #tpu.memory_space<hbm>>
      %dma_wait3A_581 = arith.constant 0 : i32
      %dma_wait3A_582 = arith.constant 0 : i32
      %dma_wait3A_583 = tpu.memref_slice %arg6[%dma_wait3A_572, %dma_wait3A_581, %dma_wait3A_582] : memref<5x128x64xf32, #tpu.memory_space<vmem>> -> memref<1x128x64xf32, #tpu.memory_space<vmem>>
      %dma_wait3A_584 = tpu.memref_squeeze %dma_wait3A_583 : memref<1x128x64xf32, #tpu.memory_space<vmem>> -> memref<128x64xf32, #tpu.memory_space<vmem>>
      tpu.wait_dma2 semaphore(%arg16 : memref<!tpu.dma_semaphore, #tpu.memory_space<semaphore_mem>>) src(%dma_wait3A_584 : memref<128x64xf32, #tpu.memory_space<vmem>>) dst(%dma_wait3A_580 : memref<128x64xf32, #tpu.memory_space<hbm>>)
      %add3A_585 = arith.constant 5 : i32
      %add3A_586 = arith.addi %add3A_284, %add3A_585 : i32
      %add3A_587 = arith.constant 4 : i32
      %add3A_588 = arith.addi %add3A_586, %add3A_587 : i32
      %mul3A_589 = arith.constant 128 : i32
      %mul3A_590 = arith.muli %add3A_588, %mul3A_589 : i32
      %dma_start3A_591 = arith.constant 4 : i32
      %dma_start3A_592 = arith.constant 0 : i32
      %dma_start3A_593 = arith.constant 0 : i32
      %dma_start3A_594 = tpu.memref_slice %arg6[%dma_start3A_591, %dma_start3A_592, %dma_start3A_593] : memref<5x128x64xf32, #tpu.memory_space<vmem>> -> memref<1x128x64xf32, #tpu.memory_space<vmem>>
      %dma_start3A_595 = tpu.memref_squeeze %dma_start3A_594 : memref<1x128x64xf32, #tpu.memory_space<vmem>> -> memref<128x64xf32, #tpu.memory_space<vmem>>
      %dma_start3A_596 = tpu.memref_slice %arg5[%mul3A_590] : memref<6400xi32, #tpu.memory_space<vmem>> -> memref<128xi32, #tpu.memory_space<vmem>>
      %dma_start3A_597 = arith.constant 0 : i32
      %dma_start3A_598 = arith.constant 0 : i32
      %dma_start3A_599 = tpu.memref_slice %arg3[%dma_start3A_597, %dma_start3A_598] : memref<1000000x64xf32, #tpu.memory_space<hbm>> -> memref<1000000x64xf32, #tpu.memory_space<hbm>>
      tpu.enqueue_indirect_dma source(%dma_start3A_599 : memref<1000000x64xf32, #tpu.memory_space<hbm>>) target(%dma_start3A_595 : memref<128x64xf32, #tpu.memory_space<vmem>>) offsets(%dma_start3A_596 : memref<128xi32, #tpu.memory_space<vmem>>) semaphore(%arg11 : memref<!tpu.dma_semaphore, #tpu.memory_space<semaphore_mem>>)
    }
    %scan3A_55 = arith.constant 9 : i32
    %dma_wait3A = arith.constant 0 : i32
    %dma_wait3A_56 = arith.constant 0 : i32
    %dma_wait3A_57 = arith.constant 0 : i32
    %dma_wait3A_58 = tpu.memref_slice %arg6[%dma_wait3A, %dma_wait3A_56, %dma_wait3A_57] : memref<5x128x64xf32, #tpu.memory_space<vmem>> -> memref<1x128x64xf32, #tpu.memory_space<vmem>>
    %dma_wait3A_59 = tpu.memref_squeeze %dma_wait3A_58 : memref<1x128x64xf32, #tpu.memory_space<vmem>> -> memref<128x64xf32, #tpu.memory_space<vmem>>
    %dma_wait3A_60 = arith.constant 0 : i32
    %dma_wait3A_61 = arith.constant 0 : i32
    %dma_wait3A_62 = tpu.memref_slice %arg3[%dma_wait3A_60, %dma_wait3A_61] : memref<1000000x64xf32, #tpu.memory_space<hbm>> -> memref<128x64xf32, #tpu.memory_space<hbm>>
    %dma_wait3A_63 = arith.constant 0 : i32
    %dma_wait3A_64 = arith.constant 0 : i32
    %dma_wait3A_65 = tpu.memref_slice %arg6[%dma_wait3A, %dma_wait3A_63, %dma_wait3A_64] : memref<5x128x64xf32, #tpu.memory_space<vmem>> -> memref<1x128x64xf32, #tpu.memory_space<vmem>>
    %dma_wait3A_66 = tpu.memref_squeeze %dma_wait3A_65 : memref<1x128x64xf32, #tpu.memory_space<vmem>> -> memref<128x64xf32, #tpu.memory_space<vmem>>
    %dma_wait3A_67 = arith.constant 0 : i32
    %dma_wait3A_68 = arith.constant 0 : i32
    %dma_wait3A_69 = tpu.memref_slice %arg3[%dma_wait3A_67, %dma_wait3A_68] : memref<1000000x64xf32, #tpu.memory_space<hbm>> -> memref<128x64xf32, #tpu.memory_space<hbm>>
    tpu.wait_dma2 semaphore(%arg7 : memref<!tpu.dma_semaphore, #tpu.memory_space<semaphore_mem>>) src(%dma_wait3A_69 : memref<128x64xf32, #tpu.memory_space<hbm>>) dst(%dma_wait3A_66 : memref<128x64xf32, #tpu.memory_space<vmem>>)
    %add3A_70 = arith.constant 5760 : i32
    %add3A_71 = arith.addi %mul3A_2, %add3A_70 : i32
    %dma_start3A_72 = arith.constant 0 : i32
    %dma_start3A_73 = arith.constant 0 : i32
    %dma_start3A_74 = arith.constant 0 : i32
    %dma_start3A_75 = tpu.memref_slice %arg6[%dma_start3A_72, %dma_start3A_73, %dma_start3A_74] : memref<5x128x64xf32, #tpu.memory_space<vmem>> -> memref<1x128x64xf32, #tpu.memory_space<vmem>>
    %dma_start3A_76 = tpu.memref_squeeze %dma_start3A_75 : memref<1x128x64xf32, #tpu.memory_space<vmem>> -> memref<128x64xf32, #tpu.memory_space<vmem>>
    %dma_start3A_77 = arith.constant 0 : i32
    %dma_start3A_78 = tpu.memref_slice %arg4[%add3A_71, %dma_start3A_77] : memref<204800x64xf32, #tpu.memory_space<hbm>> -> memref<128x64xf32, #tpu.memory_space<hbm>>
    %dma_start3A_79 = arith.constant 0 : i32
    %dma_start3A_80 = tpu.memref_slice %arg4[%add3A_71, %dma_start3A_79] : memref<204800x64xf32, #tpu.memory_space<hbm>> -> memref<128x64xf32, #tpu.memory_space<hbm>>
    %dma_start3A_81 = arith.constant 0 : i32
    %dma_start3A_82 = arith.constant 0 : i32
    %dma_start3A_83 = tpu.memref_slice %arg6[%dma_start3A_72, %dma_start3A_81, %dma_start3A_82] : memref<5x128x64xf32, #tpu.memory_space<vmem>> -> memref<1x128x64xf32, #tpu.memory_space<vmem>>
    %dma_start3A_84 = tpu.memref_squeeze %dma_start3A_83 : memref<1x128x64xf32, #tpu.memory_space<vmem>> -> memref<128x64xf32, #tpu.memory_space<vmem>>
    tpu.enqueue_dma source(%dma_start3A_84 : memref<128x64xf32, #tpu.memory_space<vmem>>) target(%dma_start3A_80 : memref<128x64xf32, #tpu.memory_space<hbm>>) target_semaphore(%arg12 : memref<!tpu.dma_semaphore, #tpu.memory_space<semaphore_mem>>)
    %dma_wait3A_85 = arith.constant 1 : i32
    %dma_wait3A_86 = arith.constant 0 : i32
    %dma_wait3A_87 = arith.constant 0 : i32
    %dma_wait3A_88 = tpu.memref_slice %arg6[%dma_wait3A_85, %dma_wait3A_86, %dma_wait3A_87] : memref<5x128x64xf32, #tpu.memory_space<vmem>> -> memref<1x128x64xf32, #tpu.memory_space<vmem>>
    %dma_wait3A_89 = tpu.memref_squeeze %dma_wait3A_88 : memref<1x128x64xf32, #tpu.memory_space<vmem>> -> memref<128x64xf32, #tpu.memory_space<vmem>>
    %dma_wait3A_90 = arith.constant 0 : i32
    %dma_wait3A_91 = arith.constant 0 : i32
    %dma_wait3A_92 = tpu.memref_slice %arg3[%dma_wait3A_90, %dma_wait3A_91] : memref<1000000x64xf32, #tpu.memory_space<hbm>> -> memref<128x64xf32, #tpu.memory_space<hbm>>
    %dma_wait3A_93 = arith.constant 0 : i32
    %dma_wait3A_94 = arith.constant 0 : i32
    %dma_wait3A_95 = tpu.memref_slice %arg6[%dma_wait3A_85, %dma_wait3A_93, %dma_wait3A_94] : memref<5x128x64xf32, #tpu.memory_space<vmem>> -> memref<1x128x64xf32, #tpu.memory_space<vmem>>
    %dma_wait3A_96 = tpu.memref_squeeze %dma_wait3A_95 : memref<1x128x64xf32, #tpu.memory_space<vmem>> -> memref<128x64xf32, #tpu.memory_space<vmem>>
    %dma_wait3A_97 = arith.constant 0 : i32
    %dma_wait3A_98 = arith.constant 0 : i32
    %dma_wait3A_99 = tpu.memref_slice %arg3[%dma_wait3A_97, %dma_wait3A_98] : memref<1000000x64xf32, #tpu.memory_space<hbm>> -> memref<128x64xf32, #tpu.memory_space<hbm>>
    tpu.wait_dma2 semaphore(%arg8 : memref<!tpu.dma_semaphore, #tpu.memory_space<semaphore_mem>>) src(%dma_wait3A_99 : memref<128x64xf32, #tpu.memory_space<hbm>>) dst(%dma_wait3A_96 : memref<128x64xf32, #tpu.memory_space<vmem>>)
    %add3A_100 = arith.constant 5888 : i32
    %add3A_101 = arith.addi %mul3A_2, %add3A_100 : i32
    %dma_start3A_102 = arith.constant 1 : i32
    %dma_start3A_103 = arith.constant 0 : i32
    %dma_start3A_104 = arith.constant 0 : i32
    %dma_start3A_105 = tpu.memref_slice %arg6[%dma_start3A_102, %dma_start3A_103, %dma_start3A_104] : memref<5x128x64xf32, #tpu.memory_space<vmem>> -> memref<1x128x64xf32, #tpu.memory_space<vmem>>
    %dma_start3A_106 = tpu.memref_squeeze %dma_start3A_105 : memref<1x128x64xf32, #tpu.memory_space<vmem>> -> memref<128x64xf32, #tpu.memory_space<vmem>>
    %dma_start3A_107 = arith.constant 0 : i32
    %dma_start3A_108 = tpu.memref_slice %arg4[%add3A_101, %dma_start3A_107] : memref<204800x64xf32, #tpu.memory_space<hbm>> -> memref<128x64xf32, #tpu.memory_space<hbm>>
    %dma_start3A_109 = arith.constant 0 : i32
    %dma_start3A_110 = tpu.memref_slice %arg4[%add3A_101, %dma_start3A_109] : memref<204800x64xf32, #tpu.memory_space<hbm>> -> memref<128x64xf32, #tpu.memory_space<hbm>>
    %dma_start3A_111 = arith.constant 0 : i32
    %dma_start3A_112 = arith.constant 0 : i32
    %dma_start3A_113 = tpu.memref_slice %arg6[%dma_start3A_102, %dma_start3A_111, %dma_start3A_112] : memref<5x128x64xf32, #tpu.memory_space<vmem>> -> memref<1x128x64xf32, #tpu.memory_space<vmem>>
    %dma_start3A_114 = tpu.memref_squeeze %dma_start3A_113 : memref<1x128x64xf32, #tpu.memory_space<vmem>> -> memref<128x64xf32, #tpu.memory_space<vmem>>
    tpu.enqueue_dma source(%dma_start3A_114 : memref<128x64xf32, #tpu.memory_space<vmem>>) target(%dma_start3A_110 : memref<128x64xf32, #tpu.memory_space<hbm>>) target_semaphore(%arg13 : memref<!tpu.dma_semaphore, #tpu.memory_space<semaphore_mem>>)
    %dma_wait3A_115 = arith.constant 2 : i32
    %dma_wait3A_116 = arith.constant 0 : i32
    %dma_wait3A_117 = arith.constant 0 : i32
    %dma_wait3A_118 = tpu.memref_slice %arg6[%dma_wait3A_115, %dma_wait3A_116, %dma_wait3A_117] : memref<5x128x64xf32, #tpu.memory_space<vmem>> -> memref<1x128x64xf32, #tpu.memory_space<vmem>>
    %dma_wait3A_119 = tpu.memref_squeeze %dma_wait3A_118 : memref<1x128x64xf32, #tpu.memory_space<vmem>> -> memref<128x64xf32, #tpu.memory_space<vmem>>
    %dma_wait3A_120 = arith.constant 0 : i32
    %dma_wait3A_121 = arith.constant 0 : i32
    %dma_wait3A_122 = tpu.memref_slice %arg3[%dma_wait3A_120, %dma_wait3A_121] : memref<1000000x64xf32, #tpu.memory_space<hbm>> -> memref<128x64xf32, #tpu.memory_space<hbm>>
    %dma_wait3A_123 = arith.constant 0 : i32
    %dma_wait3A_124 = arith.constant 0 : i32
    %dma_wait3A_125 = tpu.memref_slice %arg6[%dma_wait3A_115, %dma_wait3A_123, %dma_wait3A_124] : memref<5x128x64xf32, #tpu.memory_space<vmem>> -> memref<1x128x64xf32, #tpu.memory_space<vmem>>
    %dma_wait3A_126 = tpu.memref_squeeze %dma_wait3A_125 : memref<1x128x64xf32, #tpu.memory_space<vmem>> -> memref<128x64xf32, #tpu.memory_space<vmem>>
    %dma_wait3A_127 = arith.constant 0 : i32
    %dma_wait3A_128 = arith.constant 0 : i32
    %dma_wait3A_129 = tpu.memref_slice %arg3[%dma_wait3A_127, %dma_wait3A_128] : memref<1000000x64xf32, #tpu.memory_space<hbm>> -> memref<128x64xf32, #tpu.memory_space<hbm>>
    tpu.wait_dma2 semaphore(%arg9 : memref<!tpu.dma_semaphore, #tpu.memory_space<semaphore_mem>>) src(%dma_wait3A_129 : memref<128x64xf32, #tpu.memory_space<hbm>>) dst(%dma_wait3A_126 : memref<128x64xf32, #tpu.memory_space<vmem>>)
    %add3A_130 = arith.constant 6016 : i32
    %add3A_131 = arith.addi %mul3A_2, %add3A_130 : i32
    %dma_start3A_132 = arith.constant 2 : i32
    %dma_start3A_133 = arith.constant 0 : i32
    %dma_start3A_134 = arith.constant 0 : i32
    %dma_start3A_135 = tpu.memref_slice %arg6[%dma_start3A_132, %dma_start3A_133, %dma_start3A_134] : memref<5x128x64xf32, #tpu.memory_space<vmem>> -> memref<1x128x64xf32, #tpu.memory_space<vmem>>
    %dma_start3A_136 = tpu.memref_squeeze %dma_start3A_135 : memref<1x128x64xf32, #tpu.memory_space<vmem>> -> memref<128x64xf32, #tpu.memory_space<vmem>>
    %dma_start3A_137 = arith.constant 0 : i32
    %dma_start3A_138 = tpu.memref_slice %arg4[%add3A_131, %dma_start3A_137] : memref<204800x64xf32, #tpu.memory_space<hbm>> -> memref<128x64xf32, #tpu.memory_space<hbm>>
    %dma_start3A_139 = arith.constant 0 : i32
    %dma_start3A_140 = tpu.memref_slice %arg4[%add3A_131, %dma_start3A_139] : memref<204800x64xf32, #tpu.memory_space<hbm>> -> memref<128x64xf32, #tpu.memory_space<hbm>>
    %dma_start3A_141 = arith.constant 0 : i32
    %dma_start3A_142 = arith.constant 0 : i32
    %dma_start3A_143 = tpu.memref_slice %arg6[%dma_start3A_132, %dma_start3A_141, %dma_start3A_142] : memref<5x128x64xf32, #tpu.memory_space<vmem>> -> memref<1x128x64xf32, #tpu.memory_space<vmem>>
    %dma_start3A_144 = tpu.memref_squeeze %dma_start3A_143 : memref<1x128x64xf32, #tpu.memory_space<vmem>> -> memref<128x64xf32, #tpu.memory_space<vmem>>
    tpu.enqueue_dma source(%dma_start3A_144 : memref<128x64xf32, #tpu.memory_space<vmem>>) target(%dma_start3A_140 : memref<128x64xf32, #tpu.memory_space<hbm>>) target_semaphore(%arg14 : memref<!tpu.dma_semaphore, #tpu.memory_space<semaphore_mem>>)
    %dma_wait3A_145 = arith.constant 3 : i32
    %dma_wait3A_146 = arith.constant 0 : i32
    %dma_wait3A_147 = arith.constant 0 : i32
    %dma_wait3A_148 = tpu.memref_slice %arg6[%dma_wait3A_145, %dma_wait3A_146, %dma_wait3A_147] : memref<5x128x64xf32, #tpu.memory_space<vmem>> -> memref<1x128x64xf32, #tpu.memory_space<vmem>>
    %dma_wait3A_149 = tpu.memref_squeeze %dma_wait3A_148 : memref<1x128x64xf32, #tpu.memory_space<vmem>> -> memref<128x64xf32, #tpu.memory_space<vmem>>
    %dma_wait3A_150 = arith.constant 0 : i32
    %dma_wait3A_151 = arith.constant 0 : i32
    %dma_wait3A_152 = tpu.memref_slice %arg3[%dma_wait3A_150, %dma_wait3A_151] : memref<1000000x64xf32, #tpu.memory_space<hbm>> -> memref<128x64xf32, #tpu.memory_space<hbm>>
    %dma_wait3A_153 = arith.constant 0 : i32
    %dma_wait3A_154 = arith.constant 0 : i32
    %dma_wait3A_155 = tpu.memref_slice %arg6[%dma_wait3A_145, %dma_wait3A_153, %dma_wait3A_154] : memref<5x128x64xf32, #tpu.memory_space<vmem>> -> memref<1x128x64xf32, #tpu.memory_space<vmem>>
    %dma_wait3A_156 = tpu.memref_squeeze %dma_wait3A_155 : memref<1x128x64xf32, #tpu.memory_space<vmem>> -> memref<128x64xf32, #tpu.memory_space<vmem>>
    %dma_wait3A_157 = arith.constant 0 : i32
    %dma_wait3A_158 = arith.constant 0 : i32
    %dma_wait3A_159 = tpu.memref_slice %arg3[%dma_wait3A_157, %dma_wait3A_158] : memref<1000000x64xf32, #tpu.memory_space<hbm>> -> memref<128x64xf32, #tpu.memory_space<hbm>>
    tpu.wait_dma2 semaphore(%arg10 : memref<!tpu.dma_semaphore, #tpu.memory_space<semaphore_mem>>) src(%dma_wait3A_159 : memref<128x64xf32, #tpu.memory_space<hbm>>) dst(%dma_wait3A_156 : memref<128x64xf32, #tpu.memory_space<vmem>>)
    %add3A_160 = arith.constant 6144 : i32
    %add3A_161 = arith.addi %mul3A_2, %add3A_160 : i32
    %dma_start3A_162 = arith.constant 3 : i32
    %dma_start3A_163 = arith.constant 0 : i32
    %dma_start3A_164 = arith.constant 0 : i32
    %dma_start3A_165 = tpu.memref_slice %arg6[%dma_start3A_162, %dma_start3A_163, %dma_start3A_164] : memref<5x128x64xf32, #tpu.memory_space<vmem>> -> memref<1x128x64xf32, #tpu.memory_space<vmem>>
    %dma_start3A_166 = tpu.memref_squeeze %dma_start3A_165 : memref<1x128x64xf32, #tpu.memory_space<vmem>> -> memref<128x64xf32, #tpu.memory_space<vmem>>
    %dma_start3A_167 = arith.constant 0 : i32
    %dma_start3A_168 = tpu.memref_slice %arg4[%add3A_161, %dma_start3A_167] : memref<204800x64xf32, #tpu.memory_space<hbm>> -> memref<128x64xf32, #tpu.memory_space<hbm>>
    %dma_start3A_169 = arith.constant 0 : i32
    %dma_start3A_170 = tpu.memref_slice %arg4[%add3A_161, %dma_start3A_169] : memref<204800x64xf32, #tpu.memory_space<hbm>> -> memref<128x64xf32, #tpu.memory_space<hbm>>
    %dma_start3A_171 = arith.constant 0 : i32
    %dma_start3A_172 = arith.constant 0 : i32
    %dma_start3A_173 = tpu.memref_slice %arg6[%dma_start3A_162, %dma_start3A_171, %dma_start3A_172] : memref<5x128x64xf32, #tpu.memory_space<vmem>> -> memref<1x128x64xf32, #tpu.memory_space<vmem>>
    %dma_start3A_174 = tpu.memref_squeeze %dma_start3A_173 : memref<1x128x64xf32, #tpu.memory_space<vmem>> -> memref<128x64xf32, #tpu.memory_space<vmem>>
    tpu.enqueue_dma source(%dma_start3A_174 : memref<128x64xf32, #tpu.memory_space<vmem>>) target(%dma_start3A_170 : memref<128x64xf32, #tpu.memory_space<hbm>>) target_semaphore(%arg15 : memref<!tpu.dma_semaphore, #tpu.memory_space<semaphore_mem>>)
    %dma_wait3A_175 = arith.constant 4 : i32
    %dma_wait3A_176 = arith.constant 0 : i32
    %dma_wait3A_177 = arith.constant 0 : i32
    %dma_wait3A_178 = tpu.memref_slice %arg6[%dma_wait3A_175, %dma_wait3A_176, %dma_wait3A_177] : memref<5x128x64xf32, #tpu.memory_space<vmem>> -> memref<1x128x64xf32, #tpu.memory_space<vmem>>
    %dma_wait3A_179 = tpu.memref_squeeze %dma_wait3A_178 : memref<1x128x64xf32, #tpu.memory_space<vmem>> -> memref<128x64xf32, #tpu.memory_space<vmem>>
    %dma_wait3A_180 = arith.constant 0 : i32
    %dma_wait3A_181 = arith.constant 0 : i32
    %dma_wait3A_182 = tpu.memref_slice %arg3[%dma_wait3A_180, %dma_wait3A_181] : memref<1000000x64xf32, #tpu.memory_space<hbm>> -> memref<128x64xf32, #tpu.memory_space<hbm>>
    %dma_wait3A_183 = arith.constant 0 : i32
    %dma_wait3A_184 = arith.constant 0 : i32
    %dma_wait3A_185 = tpu.memref_slice %arg6[%dma_wait3A_175, %dma_wait3A_183, %dma_wait3A_184] : memref<5x128x64xf32, #tpu.memory_space<vmem>> -> memref<1x128x64xf32, #tpu.memory_space<vmem>>
    %dma_wait3A_186 = tpu.memref_squeeze %dma_wait3A_185 : memref<1x128x64xf32, #tpu.memory_space<vmem>> -> memref<128x64xf32, #tpu.memory_space<vmem>>
    %dma_wait3A_187 = arith.constant 0 : i32
    %dma_wait3A_188 = arith.constant 0 : i32
    %dma_wait3A_189 = tpu.memref_slice %arg3[%dma_wait3A_187, %dma_wait3A_188] : memref<1000000x64xf32, #tpu.memory_space<hbm>> -> memref<128x64xf32, #tpu.memory_space<hbm>>
    tpu.wait_dma2 semaphore(%arg11 : memref<!tpu.dma_semaphore, #tpu.memory_space<semaphore_mem>>) src(%dma_wait3A_189 : memref<128x64xf32, #tpu.memory_space<hbm>>) dst(%dma_wait3A_186 : memref<128x64xf32, #tpu.memory_space<vmem>>)
    %add3A_190 = arith.constant 6272 : i32
    %add3A_191 = arith.addi %mul3A_2, %add3A_190 : i32
    %dma_start3A_192 = arith.constant 4 : i32
    %dma_start3A_193 = arith.constant 0 : i32
    %dma_start3A_194 = arith.constant 0 : i32
    %dma_start3A_195 = tpu.memref_slice %arg6[%dma_start3A_192, %dma_start3A_193, %dma_start3A_194] : memref<5x128x64xf32, #tpu.memory_space<vmem>> -> memref<1x128x64xf32, #tpu.memory_space<vmem>>
    %dma_start3A_196 = tpu.memref_squeeze %dma_start3A_195 : memref<1x128x64xf32, #tpu.memory_space<vmem>> -> memref<128x64xf32, #tpu.memory_space<vmem>>
    %dma_start3A_197 = arith.constant 0 : i32
    %dma_start3A_198 = tpu.memref_slice %arg4[%add3A_191, %dma_start3A_197] : memref<204800x64xf32, #tpu.memory_space<hbm>> -> memref<128x64xf32, #tpu.memory_space<hbm>>
    %dma_start3A_199 = arith.constant 0 : i32
    %dma_start3A_200 = tpu.memref_slice %arg4[%add3A_191, %dma_start3A_199] : memref<204800x64xf32, #tpu.memory_space<hbm>> -> memref<128x64xf32, #tpu.memory_space<hbm>>
    %dma_start3A_201 = arith.constant 0 : i32
    %dma_start3A_202 = arith.constant 0 : i32
    %dma_start3A_203 = tpu.memref_slice %arg6[%dma_start3A_192, %dma_start3A_201, %dma_start3A_202] : memref<5x128x64xf32, #tpu.memory_space<vmem>> -> memref<1x128x64xf32, #tpu.memory_space<vmem>>
    %dma_start3A_204 = tpu.memref_squeeze %dma_start3A_203 : memref<1x128x64xf32, #tpu.memory_space<vmem>> -> memref<128x64xf32, #tpu.memory_space<vmem>>
    tpu.enqueue_dma source(%dma_start3A_204 : memref<128x64xf32, #tpu.memory_space<vmem>>) target(%dma_start3A_200 : memref<128x64xf32, #tpu.memory_space<hbm>>) target_semaphore(%arg16 : memref<!tpu.dma_semaphore, #tpu.memory_space<semaphore_mem>>)
    %add3A_205 = arith.constant 0 : i32
    %add3A_206 = arith.addi %mul3A_2, %add3A_205 : i32
    %dma_wait3A_207 = arith.constant 0 : i32
    %dma_wait3A_208 = arith.constant 0 : i32
    %dma_wait3A_209 = arith.constant 0 : i32
    %dma_wait3A_210 = tpu.memref_slice %arg6[%dma_wait3A_207, %dma_wait3A_208, %dma_wait3A_209] : memref<5x128x64xf32, #tpu.memory_space<vmem>> -> memref<1x128x64xf32, #tpu.memory_space<vmem>>
    %dma_wait3A_211 = tpu.memref_squeeze %dma_wait3A_210 : memref<1x128x64xf32, #tpu.memory_space<vmem>> -> memref<128x64xf32, #tpu.memory_space<vmem>>
    %dma_wait3A_212 = arith.constant 0 : i32
    %dma_wait3A_213 = tpu.memref_slice %arg4[%add3A_206, %dma_wait3A_212] : memref<204800x64xf32, #tpu.memory_space<hbm>> -> memref<128x64xf32, #tpu.memory_space<hbm>>
    %dma_wait3A_214 = arith.constant 0 : i32
    %dma_wait3A_215 = tpu.memref_slice %arg4[%add3A_206, %dma_wait3A_214] : memref<204800x64xf32, #tpu.memory_space<hbm>> -> memref<128x64xf32, #tpu.memory_space<hbm>>
    %dma_wait3A_216 = arith.constant 0 : i32
    %dma_wait3A_217 = arith.constant 0 : i32
    %dma_wait3A_218 = tpu.memref_slice %arg6[%dma_wait3A_207, %dma_wait3A_216, %dma_wait3A_217] : memref<5x128x64xf32, #tpu.memory_space<vmem>> -> memref<1x128x64xf32, #tpu.memory_space<vmem>>
    %dma_wait3A_219 = tpu.memref_squeeze %dma_wait3A_218 : memref<1x128x64xf32, #tpu.memory_space<vmem>> -> memref<128x64xf32, #tpu.memory_space<vmem>>
    tpu.wait_dma2 semaphore(%arg12 : memref<!tpu.dma_semaphore, #tpu.memory_space<semaphore_mem>>) src(%dma_wait3A_219 : memref<128x64xf32, #tpu.memory_space<vmem>>) dst(%dma_wait3A_215 : memref<128x64xf32, #tpu.memory_space<hbm>>)
    %add3A_220 = arith.constant 0 : i32
    %add3A_221 = arith.addi %mul3A_2, %add3A_220 : i32
    %dma_wait3A_222 = arith.constant 1 : i32
    %dma_wait3A_223 = arith.constant 0 : i32
    %dma_wait3A_224 = arith.constant 0 : i32
    %dma_wait3A_225 = tpu.memref_slice %arg6[%dma_wait3A_222, %dma_wait3A_223, %dma_wait3A_224] : memref<5x128x64xf32, #tpu.memory_space<vmem>> -> memref<1x128x64xf32, #tpu.memory_space<vmem>>
    %dma_wait3A_226 = tpu.memref_squeeze %dma_wait3A_225 : memref<1x128x64xf32, #tpu.memory_space<vmem>> -> memref<128x64xf32, #tpu.memory_space<vmem>>
    %dma_wait3A_227 = arith.constant 0 : i32
    %dma_wait3A_228 = tpu.memref_slice %arg4[%add3A_221, %dma_wait3A_227] : memref<204800x64xf32, #tpu.memory_space<hbm>> -> memref<128x64xf32, #tpu.memory_space<hbm>>
    %dma_wait3A_229 = arith.constant 0 : i32
    %dma_wait3A_230 = tpu.memref_slice %arg4[%add3A_221, %dma_wait3A_229] : memref<204800x64xf32, #tpu.memory_space<hbm>> -> memref<128x64xf32, #tpu.memory_space<hbm>>
    %dma_wait3A_231 = arith.constant 0 : i32
    %dma_wait3A_232 = arith.constant 0 : i32
    %dma_wait3A_233 = tpu.memref_slice %arg6[%dma_wait3A_222, %dma_wait3A_231, %dma_wait3A_232] : memref<5x128x64xf32, #tpu.memory_space<vmem>> -> memref<1x128x64xf32, #tpu.memory_space<vmem>>
    %dma_wait3A_234 = tpu.memref_squeeze %dma_wait3A_233 : memref<1x128x64xf32, #tpu.memory_space<vmem>> -> memref<128x64xf32, #tpu.memory_space<vmem>>
    tpu.wait_dma2 semaphore(%arg13 : memref<!tpu.dma_semaphore, #tpu.memory_space<semaphore_mem>>) src(%dma_wait3A_234 : memref<128x64xf32, #tpu.memory_space<vmem>>) dst(%dma_wait3A_230 : memref<128x64xf32, #tpu.memory_space<hbm>>)
    %add3A_235 = arith.constant 0 : i32
    %add3A_236 = arith.addi %mul3A_2, %add3A_235 : i32
    %dma_wait3A_237 = arith.constant 2 : i32
    %dma_wait3A_238 = arith.constant 0 : i32
    %dma_wait3A_239 = arith.constant 0 : i32
    %dma_wait3A_240 = tpu.memref_slice %arg6[%dma_wait3A_237, %dma_wait3A_238, %dma_wait3A_239] : memref<5x128x64xf32, #tpu.memory_space<vmem>> -> memref<1x128x64xf32, #tpu.memory_space<vmem>>
    %dma_wait3A_241 = tpu.memref_squeeze %dma_wait3A_240 : memref<1x128x64xf32, #tpu.memory_space<vmem>> -> memref<128x64xf32, #tpu.memory_space<vmem>>
    %dma_wait3A_242 = arith.constant 0 : i32
    %dma_wait3A_243 = tpu.memref_slice %arg4[%add3A_236, %dma_wait3A_242] : memref<204800x64xf32, #tpu.memory_space<hbm>> -> memref<128x64xf32, #tpu.memory_space<hbm>>
    %dma_wait3A_244 = arith.constant 0 : i32
    %dma_wait3A_245 = tpu.memref_slice %arg4[%add3A_236, %dma_wait3A_244] : memref<204800x64xf32, #tpu.memory_space<hbm>> -> memref<128x64xf32, #tpu.memory_space<hbm>>
    %dma_wait3A_246 = arith.constant 0 : i32
    %dma_wait3A_247 = arith.constant 0 : i32
    %dma_wait3A_248 = tpu.memref_slice %arg6[%dma_wait3A_237, %dma_wait3A_246, %dma_wait3A_247] : memref<5x128x64xf32, #tpu.memory_space<vmem>> -> memref<1x128x64xf32, #tpu.memory_space<vmem>>
    %dma_wait3A_249 = tpu.memref_squeeze %dma_wait3A_248 : memref<1x128x64xf32, #tpu.memory_space<vmem>> -> memref<128x64xf32, #tpu.memory_space<vmem>>
    tpu.wait_dma2 semaphore(%arg14 : memref<!tpu.dma_semaphore, #tpu.memory_space<semaphore_mem>>) src(%dma_wait3A_249 : memref<128x64xf32, #tpu.memory_space<vmem>>) dst(%dma_wait3A_245 : memref<128x64xf32, #tpu.memory_space<hbm>>)
    %add3A_250 = arith.constant 0 : i32
    %add3A_251 = arith.addi %mul3A_2, %add3A_250 : i32
    %dma_wait3A_252 = arith.constant 3 : i32
    %dma_wait3A_253 = arith.constant 0 : i32
    %dma_wait3A_254 = arith.constant 0 : i32
    %dma_wait3A_255 = tpu.memref_slice %arg6[%dma_wait3A_252, %dma_wait3A_253, %dma_wait3A_254] : memref<5x128x64xf32, #tpu.memory_space<vmem>> -> memref<1x128x64xf32, #tpu.memory_space<vmem>>
    %dma_wait3A_256 = tpu.memref_squeeze %dma_wait3A_255 : memref<1x128x64xf32, #tpu.memory_space<vmem>> -> memref<128x64xf32, #tpu.memory_space<vmem>>
    %dma_wait3A_257 = arith.constant 0 : i32
    %dma_wait3A_258 = tpu.memref_slice %arg4[%add3A_251, %dma_wait3A_257] : memref<204800x64xf32, #tpu.memory_space<hbm>> -> memref<128x64xf32, #tpu.memory_space<hbm>>
    %dma_wait3A_259 = arith.constant 0 : i32
    %dma_wait3A_260 = tpu.memref_slice %arg4[%add3A_251, %dma_wait3A_259] : memref<204800x64xf32, #tpu.memory_space<hbm>> -> memref<128x64xf32, #tpu.memory_space<hbm>>
    %dma_wait3A_261 = arith.constant 0 : i32
    %dma_wait3A_262 = arith.constant 0 : i32
    %dma_wait3A_263 = tpu.memref_slice %arg6[%dma_wait3A_252, %dma_wait3A_261, %dma_wait3A_262] : memref<5x128x64xf32, #tpu.memory_space<vmem>> -> memref<1x128x64xf32, #tpu.memory_space<vmem>>
    %dma_wait3A_264 = tpu.memref_squeeze %dma_wait3A_263 : memref<1x128x64xf32, #tpu.memory_space<vmem>> -> memref<128x64xf32, #tpu.memory_space<vmem>>
    tpu.wait_dma2 semaphore(%arg15 : memref<!tpu.dma_semaphore, #tpu.memory_space<semaphore_mem>>) src(%dma_wait3A_264 : memref<128x64xf32, #tpu.memory_space<vmem>>) dst(%dma_wait3A_260 : memref<128x64xf32, #tpu.memory_space<hbm>>)
    %add3A_265 = arith.constant 0 : i32
    %add3A_266 = arith.addi %mul3A_2, %add3A_265 : i32
    %dma_wait3A_267 = arith.constant 4 : i32
    %dma_wait3A_268 = arith.constant 0 : i32
    %dma_wait3A_269 = arith.constant 0 : i32
    %dma_wait3A_270 = tpu.memref_slice %arg6[%dma_wait3A_267, %dma_wait3A_268, %dma_wait3A_269] : memref<5x128x64xf32, #tpu.memory_space<vmem>> -> memref<1x128x64xf32, #tpu.memory_space<vmem>>
    %dma_wait3A_271 = tpu.memref_squeeze %dma_wait3A_270 : memref<1x128x64xf32, #tpu.memory_space<vmem>> -> memref<128x64xf32, #tpu.memory_space<vmem>>
    %dma_wait3A_272 = arith.constant 0 : i32
    %dma_wait3A_273 = tpu.memref_slice %arg4[%add3A_266, %dma_wait3A_272] : memref<204800x64xf32, #tpu.memory_space<hbm>> -> memref<128x64xf32, #tpu.memory_space<hbm>>
    %dma_wait3A_274 = arith.constant 0 : i32
    %dma_wait3A_275 = tpu.memref_slice %arg4[%add3A_266, %dma_wait3A_274] : memref<204800x64xf32, #tpu.memory_space<hbm>> -> memref<128x64xf32, #tpu.memory_space<hbm>>
    %dma_wait3A_276 = arith.constant 0 : i32
    %dma_wait3A_277 = arith.constant 0 : i32
    %dma_wait3A_278 = tpu.memref_slice %arg6[%dma_wait3A_267, %dma_wait3A_276, %dma_wait3A_277] : memref<5x128x64xf32, #tpu.memory_space<vmem>> -> memref<1x128x64xf32, #tpu.memory_space<vmem>>
    %dma_wait3A_279 = tpu.memref_squeeze %dma_wait3A_278 : memref<1x128x64xf32, #tpu.memory_space<vmem>> -> memref<128x64xf32, #tpu.memory_space<vmem>>
    tpu.wait_dma2 semaphore(%arg16 : memref<!tpu.dma_semaphore, #tpu.memory_space<semaphore_mem>>) src(%dma_wait3A_279 : memref<128x64xf32, #tpu.memory_space<vmem>>) dst(%dma_wait3A_275 : memref<128x64xf32, #tpu.memory_space<hbm>>)
    return
  }
}

</mosaic_0001>

<sc_bundles>
// kernel: kernel.3.cloned.1.call-start
scs
__scs_entry_jumppad:
0x0: {  	(pc) =	sbr.rel $0x88, $3  }
0x1: {  	(tag) =	ssettag $0x0;
	lr =	simm.s32 $0x1  }
0x2: {  	[smem:$0x3F9F] =	sst lr;
	_ =	strace $0xD0000000  }
0x3: {  	_ = 	snop  }
0x4: {  	_ = 	snop  }
0x5: {  	_ = 	snop  }
0x6: {  	_ = 	snop  }
0x7: {  	_ = 	snop  }
__scs_overlays_trampoline_lowered:
0x8: {  	[smem:$0x3FAE] =	sst s0  }
0x9: {  	[smem:$0x3FAF] =	sst s1  }
0xa: {  	[smem:$0x3FB0] =	sst s2  }
0xb: {  	[smem:$0x3FB1] =	sst s3  }
0xc: {  	[smem:$0x3FB2] =	sst s4  }
0xd: {  	[smem:$0x3FB3] =	sst s5  }
0xe: {  	[smem:$0x3FB4] =	sst s6  }
0xf: {  	[smem:$0x3FB5] =	sst s7  }
0x10: {  	[smem:$0x3FB6] =	sst s8  }
0x11: {  	[smem:$0x3FB7] =	sst s9;
	s0 =	simm.s32 @!p0 $0x0  }
0x12: {  	s1 =	sld [smem:$0x3F9D];
	s0 =	simm.s32 @p0 $0x1  }
0x13: {  	[smem:$0x3FB8] =	sst s0;
	s0 =	simm.s32 @!p1 $0x0  }
0x14: {  	s2 =	sld [smem:$0x3F9C];
	s0 =	simm.s32 @p1 $0x1  }
0x15: {  	[smem:$0x3FB9] =	sst s0;
	s0 =	simm.s32 @!p2 $0x0  }
0x16: {  	s3 =	sld [smem:$0x3FDB];
	s0 =	simm.s32 @p2 $0x1  }
0x17: {  	s4 =	simm.s32 $0x1BF5;
	[smem:$0x3FBB] =	sst s0  }
0x18: {  	s0 =	sld [smem:$0x3F9E];
	_ =	swait.ge [sflag:s4], $0x0  }
0x19: {  	s7 =	sld [smem:$0x3F9F]  }
0x1a: {  	s8 =	sadd.s32 $0xFFFFE003, lr  }
0x1b: {  	s9 =	sadd.s32 $0xFFFFFEF7, lr;
	s5 =	simm.s32 $0xFFFFFFFF;
	p2 =	slt.u32 s8, $0xFFFFF086  }
0x1c: {  	p1 =	slt.u32 s9, $0xF7A;
	s5 =	simm.s32 @!p2 $0x0  }
0x1d: {  	s5 =	simm.s32 @p1 $0x1;
	p0 =	seq.s32 s7, s2  }
0x1e: {  	s7 =	smul.u32 @!p0 $0xF7A, s2;
	p2 =	seq.s32 @!p0 s5, $0x0  }
0x1f: {  	s9 =	smul.u32 $0xF7A, s1;
	s8 =	simm.s32 @!p0 $0x1BF5;
	p2 =	por !p2, p0  }
0x20: {  	[sflag:s8] =	ssyncset.s32 @!p0 $0xFFFFF086;
	s6 =	sadd.s32 @!p0 s3, s7;
	s7 =	simm.s32 @!p0 $0x108  }
0x21: {  	s3 =	sadd.s32 s3, s9;
	s6 =	sadd.s32 @!p0 $0x88, s6;
	s7 =	simm.s32 @p2 $0x1082  }
0x22: {  	[simem:s7], [sflag:s8] =	dma.local @!p0 [hbm:s6], $0xF7A  }
0x23: {  	s9 =	sor.u32 $0xD0000000, s2;
	s6 =	simm.s32 $0x108;
	_ =	swait.ge @!p0 [sflag:s8], $0x0  }
0x24: {  	s3 =	sadd.s32 $0x88, s3;
	s6 =	simm.s32 @!p1 $0x1082;
	[sflag:s4] =	ssyncset.s32 $0xFFFFF086  }
0x25: {  	[simem:s6], [sflag:s4] =	dma.local [hbm:s3], $0xF7A  }
0x26: {  	[smem:$0x3F9F] =	sst s1;
	(tag) =	ssettag s2;
	_ =	strace s9  }
0x27: {  	s1 =	sld [smem:$0x3FAF]  }
0x28: {  	s2 =	sld [smem:$0x3FB0]  }
0x29: {  	s4 =	sld [smem:$0x3FB2]  }
0x2a: {  	p0 =	seq.s32 s5, $0x0;
	s5 =	sld [smem:$0x3FB3]  }
0x2b: {  	s6 =	sld [smem:$0x3FB4]  }
0x2c: {  	s7 =	sld [smem:$0x3FB5]  }
0x2d: {  	s3 =	simm.s32 $0x108;
	s8 =	sld [smem:$0x3FB6]  }
0x2e: {  	s3 =	simm.s32 @!p0 $0x1082;
	s9 =	sld [smem:$0x3FB7]  }
0x2f: {  	lr =	sadd.s32 s0, s3;
	s0 =	sld [smem:$0x3FAE]  }
0x30: {  	s3 =	sld [smem:$0x3FB1]  }
0x31: {  	[smem:$0x3FBA] =	sst s10  }
0x32: {  	s10 =	sld [smem:$0x3FB8];
	_ =	sdelay $0x3  }
0x33: {  	p0 =	seq.s32 s10, $0x1;
	s10 =	sld [smem:$0x3FBA];
	_ =	sdelay $0x3  }
0x34: {  	[smem:$0x3FBA] =	sst s10  }
0x35: {  	s10 =	sld [smem:$0x3FB9];
	_ =	sdelay $0x3  }
0x36: {  	p1 =	seq.s32 s10, $0x1;
	s10 =	sld [smem:$0x3FBA];
	_ =	sdelay $0x3  }
0x37: {  	[smem:$0x3FBA] =	sst s10  }
0x38: {  	s10 =	sld [smem:$0x3FBB]  }
0x39: {  	_ = 	snop;
	(pc) =	sbr.ind lr, $3  }
0x3a: {  	_ = 	snop  }
0x3b: {  	_ = 	snop  }
0x3c: {  	p2 =	seq.s32 s10, $0x1;
	s10 =	sld [smem:$0x3FBA]  }
0x3d: {  	_ =	shalt  }
0x3e: {  	_ =	shalt  }
0x3f: {  	_ =	shalt  }
0x40: {  	_ =	shalt  }
0x41: {  	_ =	shalt  }
0x42: {  	_ =	shalt  }
0x43: {  	_ =	shalt  }
0x44: {  	_ =	shalt  }
0x45: {  	_ =	shalt  }
0x46: {  	_ =	shalt  }
0x47: {  	_ =	shalt  }
0x48: {  	_ =	shalt  }
0x49: {  	_ =	shalt  }
0x4a: {  	_ =	shalt  }
0x4b: {  	_ =	shalt  }
0x4c: {  	_ =	shalt  }
0x4d: {  	_ =	shalt  }
0x4e: {  	_ =	shalt  }
0x4f: {  	_ =	shalt  }
0x50: {  	_ =	shalt  }
0x51: {  	_ =	shalt  }
0x52: {  	_ =	shalt  }
0x53: {  	_ =	shalt  }
0x54: {  	_ =	shalt  }
0x55: {  	_ =	shalt  }
0x56: {  	_ =	shalt  }
0x57: {  	_ =	shalt  }
0x58: {  	_ =	shalt  }
0x59: {  	_ =	shalt  }
0x5a: {  	_ =	shalt  }
0x5b: {  	_ =	shalt  }
0x5c: {  	_ =	shalt  }
0x5d: {  	_ =	shalt  }
0x5e: {  	_ =	shalt  }
0x5f: {  	_ =	shalt  }
0x60: {  	_ =	shalt  }
0x61: {  	_ =	shalt  }
0x62: {  	_ =	shalt  }
0x63: {  	_ =	shalt  }
0x64: {  	_ =	shalt  }
0x65: {  	_ =	shalt  }
0x66: {  	_ =	shalt  }
0x67: {  	_ =	shalt  }
0x68: {  	_ =	shalt  }
0x69: {  	_ =	shalt  }
0x6a: {  	_ =	shalt  }
0x6b: {  	_ =	shalt  }
0x6c: {  	_ =	shalt  }
0x6d: {  	_ =	shalt  }
0x6e: {  	_ =	shalt  }
0x6f: {  	_ =	shalt  }
0x70: {  	_ =	shalt  }
0x71: {  	_ =	shalt  }
0x72: {  	_ =	shalt  }
0x73: {  	_ =	shalt  }
0x74: {  	_ =	shalt  }
0x75: {  	_ =	shalt  }
0x76: {  	_ =	shalt  }
0x77: {  	_ =	shalt  }
0x78: {  	_ =	shalt  }
0x79: {  	_ =	shalt  }
0x7a: {  	_ =	shalt  }
0x7b: {  	_ =	shalt  }
0x7c: {  	_ =	shalt  }
0x7d: {  	_ =	shalt  }
0x7e: {  	_ =	shalt  }
0x7f: {  	_ =	shalt  }
0x80: {  	_ =	shalt  }
0x81: {  	_ =	shalt  }
0x82: {  	_ =	shalt  }
0x83: {  	_ =	shalt  }
0x84: {  	_ =	shalt  }
0x85: {  	_ =	shalt  }
0x86: {  	_ =	shalt  }
0x87: {  	_ =	shalt  }
.Lfunc_end0:
.L_simem_size_0:
called_computation.1_lowered:
.L_overlay_start_0:
0x88: {  	s2 =	sld [smem:$0x3FD9]  }
0x89: {  	s3 =	sld [smem:$0x3FFE];
	_ =	sdelay $0x1  }
0x8a: {  	s1 =	srdreg.scid  }
0x8b: {  	s0 =	sand.u32 $0x1, s1  }
0x8c: {  	s17 =	sshll.u32 s0, $0xA;
	s2 =	sadd.s32 s3, s2  }
0x8d: {  	s2 =	sadd.s32 s2, s17  }
0x8e: {  	[smem:$0x3FC6] =	sst s2  }
0x8f: {  	_ = 	snop  }
0x90: {  	s2 =	sld [smem:$0x3FD0];
	(tm) =	ssettm $0x1  }
0x91: {  	s18 =	sld [smem:$0x3FFB];
	_ =	sdelay $0x3  }
0x92: {  	_ =	strace s18  }
0x93: {  	s3 =	sld [smem:$0x3FFC];
	_ =	sdelay $0x3  }
0x94: {  	_ =	strace s3  }
0x95: {  	s3 =	sld [smem:$0x3FFD];
	_ =	sdelay $0x3  }
0x96: {  	_ =	strace s3  }
0x97: {  	_ =	strace $0x8FFFFFFF  }
0x98: {  	s19 =	sld [smem:$0x3FDB];
	_ =	sdelay $0x1  }
0x99: {  	s4 =	simm.s32 $_scs_section_size  }
0x9a: {  	s5 =	simm.s32 $_size__tile_overlayer_lowered;
	s6 =	simm.s32 $_tile_overlayer_lowered  }
0x9b: {  	s22 =	simm.s32 $0x1BFF;
	s21 =	sshll.u32 s6, $0x1;
	s3 =	sadd.s32 s4, s19  }
0x9c: {  	s7 =	simm.s32 $0x0;
	s20 =	sshll.u32 s5, $0x1;
	s5 =	sadd.s32 s21, s3  }
0x9d: {  	[timem:s7], [sflag:s22] =	dma.local [hbm:s5], s20  }
0x9e: {  	_ =	swait.ge [sflag:s22], s20  }
0x9f: {  	s4 =	ssub.s32 $0x0, s20;
	[sflag:s22] =	ssyncset.done $0x0  }
0xa0: {  	[sflag:s22] =	ssyncadd.s32 s4;
	_ =	sdelay $0x1  }
0xa1: {  	s23 =	simm.s32 $0x1B8B  }
0xa2: {  	_ =	swait.ge [sflag:s23], $0x1  }
0xa3: {  	[sflag:s23] =	ssyncset.done $0x0  }
0xa4: {  	s25 =	simm.s32 $0x1B8E;
	s24 =	sld [smem:$0x3FFE];
	[sflag:s23] =	ssyncadd.s32 $0xFFFFFFFF  }
0xa5: {  	s26 =	simm.s32 $execute0_lowered;
	[smem:$0x3FD2] =	sst s25  }
0xa6: {  	s5 =	sshll.u32 s26, $0x1;
	_ =	strace $0x80000046;
	[dreg:$0x1] =	wrdreg $0xFFFFFFFF  }
0xa7: {  	s28 =	simm.s32 $_size_execute0_lowered;
	s3 =	sadd.s32 s3, s5;
	[dreg:$0x0] =	wrdreg $0x0  }
0xa8: {  	s5 =	sshll.u32 s28, $0x1;
	[dreg:$0x2] =	wrdreg s3  }
0xa9: {  	[dreg:$0x3] =	wrdreg s5  }
0xaa: {  	[dreg:$0x4] =	wrdreg $0xC0  }
0xab: {  	_ =	task [dreg:s7], $0x5FFFF  }
0xac: {  	[dreg:$0x1] =	wrdreg $0xFFFFFFFF  }
0xad: {  	[dreg:$0x0] =	wrdreg $0x60  }
0xae: {  	[dreg:$0x2] =	wrdreg s24  }
0xaf: {  	[dreg:$0x3] =	wrdreg s2  }
0xb0: {  	[dreg:$0x4] =	wrdreg $0x9  }
0xb1: {  	_ =	task.clear_ibuf [dreg:s7], $0x5FFFF;
	_ =	strace $0x90000046  }
0xb2: {  	s29 =	simm.s32 $0x9;
	_ =	strace $0x80000048  }
0xb3: {  	_ =	swait.ge [sflag:s29], $0x1  }
0xb4: {  	[sflag:s29] =	ssyncadd.s32 $0xFFFFFFFF  }
0xb5: {  	_ =	strace $0x90000048  }
0xb6: {  	_ =	sfence  }
0xb7: {  	s30 =	sld [smem:$0x0];
	_ =	sdelay $0x2  }
0xb8: {  	s31 =	sshll.u32 s1, $0xD;
	s1 =	sshrl.u32 s1, $0x2  }
0xb9: {  	s3 =	sand.u32 $0x4000, s31;
	s1 =	sadd.s32 s1, s30  }
0xba: {  	s0 =	sor.u32 s3, s0;
	s1 =	sshll.u32 s1, $0x11  }
0xbb: {  	s0 =	sor.u32 s1, s0  }
0xbc: {  	s0 =	sadd.s32 $0x8F2B, s0  }
0xbd: {  	[sflag:s0] =	ssyncadd.remote.s32 $0x1  }
0xbe: {  	_ =	sfence.sel $0xFFFF  }
0xbf: {  	[dreg:$0x0] =	wrdreg $0xFFFFFFFF;
	(pc) =	sbr.abs _section_cstart, $3  }
0xc0: {  	[dreg:$0x1] =	wrdreg $0xFFFFFFFF  }
0xc1: {  	_ =	task.clear_ibuf [dreg:s7], $0x2FFFF;
	_ =	strace $0x9FFFFFFF  }
0xc2: {  	(tm) =	ssettm $0x7FFFFFFF  }
0xc3: {  	_ =	shalt  }
tec
execute0_lowered:
.L_overlay_start_1:
0x0: {  	(tag) =	ssettag $0x1  }
0x1: {  	s0 =	srdreg.scid;
	s1 =	rddreg [dreg:$0x0]  }
0x2: {  	s9 =	stileid.u32;
	s4 =	rddreg [dreg:$0x1];
	s17 =	simm.s32 $0x80  }
0x3: {  	s0 =	sand.u32 $0x1, s0;
	s2 =	sshll.u32 s9, $0x1;
	s8 =	smul.u32 $0x3200, s9  }
0x4: {  	s28 =	simm.s32 $0x2;
	s25 =	smul.u32 $0x19000, s9;
	s3 =	sor.u32 s0, s2  }
0x5: {  	s29 =	simm.s32 $0x3;
	s30 =	simm.s32 $0x4;
	s5 =	smul.u32 $0x1900, s3  }
0x6: {  	s31 =	simm.s32 $0x5;
	s2 =	simm.s32 $0x0;
	s6 =	smul.u32 $0x64000, s3  }
0x7: {  	s18 =	ssub.s32 $0x2, s0;
	s19 =	smul.u32 $0x1900, s0;
	s5 =	sshrl.u32 s5, $0x3  }
0x8: {  	s0 =	smul.u32 $0xC800, s0;
	s6 =	sshrl.u32 s6, $0x3;
	s5 =	sadd.s32 s5, s1  }
0x9: {  	[smem:$0x7FF] =	sst s2;
	s6 =	sadd.s32 s4, s6;
	s5 =	sadd.s32 $0xA00, s5  }
0xa: {  	_ =	strace $0x80000047;
	s20 =	sadd.s32 $0xB400, s6;
	[dreg:$0x3] =	wrdreg s5  }
0xb: {  	s3 =	sadd.s32 $0xF42E00, s1;
	s21 =	sadd.s32 $0xB800, s6;
	[dreg:$0x4] =	wrdreg s20  }
0xc: {  	s7 =	sshrl.u32 s18, $0x1;
	s22 =	sadd.s32 $0xBC00, s6;
	[dreg:$0x5] =	wrdreg s21  }
0xd: {  	s24 =	sadd.s32 s19, s8;
	s23 =	sadd.s32 $0xC000, s6;
	[dreg:$0x6] =	wrdreg s22  }
0xe: {  	s1 =	ssub.s32 s18, s7;
	s6 =	sadd.s32 $0xC400, s6;
	[dreg:$0x7] =	wrdreg s23  }
0xf: {  	s19 =	simm.s32 $0x3900;
	s1 =	smax.u32 s1, $0x1;
	[dreg:$0x8] =	wrdreg s6  }
0x10: {  	s18 =	simm.s32 $0x1900;
	s5 =	sshll.u32 s24, $0x3;
	[dreg:$0x9] =	wrdreg s1  }
0x11: {  	s21 =	simm.s32 $0x5900;
	s23 =	simm.s32 $0x7900;
	s1 =	simm.s32 $0x6  }
0x12: {  	s20 =	simm.s32 $0x8;
	s22 =	simm.s32 $0x9;
	s24 =	simm.s32 $0xA  }
0x13: {  	s26 =	sadd.s32 s5, s4;
	s4 =	sadd.s32 s25, s4;
	s25 =	simm.s32 $0x9900  }
0x14: {  	s5 =	sadd.s32 $0x1000, s26;
	s12 =	sadd.s32 $0xC00, s26;
	s13 =	sadd.s32 $0x800, s26  }
0x15: {  	s14 =	sadd.s32 $0x400, s26;
	s15 =	sadd.s32 s0, s4;
	s26 =	simm.s32 $0x1  }
0x16: {  	s0 =	simm.s32 $0x7;
	s4 =	simm.s32 $0x0;
	[dreg:$0xa] =	wrdreg s5  }
.LBB2_1:
0x17: {  	s5 =	rddreg [dreg:$0x3];
	s16 =	simm.s32 $0xB  }
0x18: {  	[tilespmem:s2], [sflag:$0xB] =	stream.linear.gather [hbm4b:s5+s2], $0x1900, $0x38;
	[tilespmem:$0xB900] =	vst v63  }
0x19: {  	_ =	swait.ge [sflag:s16], $0x1900  }
0x1a: {  	[sflag:s16] =	ssyncset.done $0x0  }
0x1b: {  	[sflag:s16] =	ssyncadd.s32 $0xFFFFE700  }
0x1c: {  	[tilespmem:s18], [sflag:$0x1] =	stream.indirect.gather [hbm4b:s3+s17], $0x40, s2, s17, $0xb8;
	[tilespmem:$0xB900] =	vst v63  }
0x1d: {  	_ = 	snop  }
0x1e: {  	[tilespmem:s19], [sflag:$0x2] =	stream.indirect.gather [hbm4b:s3+s17], $0x40, s17, s17, $0xb8;
	[tilespmem:$0xB900] =	vst v63  }
0x1f: {  	s6 =	simm.s32 $0x100  }
0x20: {  	[tilespmem:s21], [sflag:$0x3] =	stream.indirect.gather [hbm4b:s3+s17], $0x40, s6, s17, $0xb8;
	[tilespmem:$0xB900] =	vst v63  }
0x21: {  	s7 =	simm.s32 $0x180  }
0x22: {  	[tilespmem:s23], [sflag:$0x4] =	stream.indirect.gather [hbm4b:s3+s17], $0x40, s7, s17, $0xb8;
	[tilespmem:$0xB900] =	vst v63  }
0x23: {  	s8 =	simm.s32 $0x200  }
0x24: {  	[tilespmem:s25], [sflag:$0x5] =	stream.indirect.gather [hbm4b:s3+s17], $0x40, s8, s17, $0xb8;
	[tilespmem:$0xB900] =	vst v63  }
0x25: {  	_ =	swait.ge [sflag:s26], $0x2000  }
0x26: {  	[sflag:s26] =	ssyncset.done $0x0  }
0x27: {  	[sflag:s26] =	ssyncadd.s32 $0xFFFFE000  }
0x28: {  	[hbm4b:s15+s2] =	stream.linear.scatter [tilespmem:s18], [sflag:$0x6], $0x2000, $0x38;
	[tilespmem:$0xB900] =	vst v63  }
0x29: {  	_ =	swait.ge [sflag:s28], $0x2000  }
0x2a: {  	[sflag:s28] =	ssyncset.done $0x0  }
0x2b: {  	[sflag:s28] =	ssyncadd.s32 $0xFFFFE000  }
0x2c: {  	[hbm4b:s14+s2] =	stream.linear.scatter [tilespmem:s19], [sflag:$0x7], $0x2000, $0x38;
	[tilespmem:$0xB900] =	vst v63  }
0x2d: {  	_ =	swait.ge [sflag:s29], $0x2000  }
0x2e: {  	[sflag:s29] =	ssyncset.done $0x0  }
0x2f: {  	[sflag:s29] =	ssyncadd.s32 $0xFFFFE000  }
0x30: {  	[hbm4b:s13+s2] =	stream.linear.scatter [tilespmem:s21], [sflag:$0x8], $0x2000, $0x38;
	[tilespmem:$0xB900] =	vst v63  }
0x31: {  	_ =	swait.ge [sflag:s30], $0x2000  }
0x32: {  	[sflag:s30] =	ssyncset.done $0x0  }
0x33: {  	[sflag:s30] =	ssyncadd.s32 $0xFFFFE000  }
0x34: {  	[hbm4b:s12+s2] =	stream.linear.scatter [tilespmem:s23], [sflag:$0x9], $0x2000, $0x38;
	[tilespmem:$0xB900] =	vst v63  }
0x35: {  	_ =	swait.ge [sflag:s31], $0x2000  }
0x36: {  	[sflag:s31] =	ssyncset.done $0x0  }
0x37: {  	s10 =	rddreg [dreg:$0xa];
	[sflag:s31] =	ssyncadd.s32 $0xFFFFE000  }
0x38: {  	[hbm4b:s10+s2] =	stream.linear.scatter [tilespmem:s25], [sflag:$0xA], $0x2000, $0x38;
	[tilespmem:$0xB900] =	vst v63  }
0x39: {  	_ =	swait.ge [sflag:s1], $0x2000  }
0x3a: {  	[sflag:s1] =	ssyncset.done $0x0  }
0x3b: {  	s9 =	simm.s32 $0x280;
	[sflag:s1] =	ssyncadd.s32 $0xFFFFE000  }
0x3c: {  	[tilespmem:s18], [sflag:$0x1] =	stream.indirect.gather [hbm4b:s3+s17], $0x40, s9, s17, $0xb8;
	[tilespmem:$0xB900] =	vst v63  }
0x3d: {  	_ =	swait.ge [sflag:s0], $0x2000  }
0x3e: {  	[sflag:s0] =	ssyncset.done $0x0  }
0x3f: {  	s11 =	simm.s32 $0x300;
	[sflag:s0] =	ssyncadd.s32 $0xFFFFE000  }
0x40: {  	[tilespmem:s19], [sflag:$0x2] =	stream.indirect.gather [hbm4b:s3+s17], $0x40, s11, s17, $0xb8;
	[tilespmem:$0xB900] =	vst v63  }
0x41: {  	_ =	swait.ge [sflag:s20], $0x2000  }
0x42: {  	[sflag:s20] =	ssyncset.done $0x0  }
0x43: {  	s16 =	simm.s32 $0x380;
	[sflag:s20] =	ssyncadd.s32 $0xFFFFE000  }
0x44: {  	[tilespmem:s21], [sflag:$0x3] =	stream.indirect.gather [hbm4b:s3+s17], $0x40, s16, s17, $0xb8;
	[tilespmem:$0xB900] =	vst v63  }
0x45: {  	_ =	swait.ge [sflag:s22], $0x2000  }
0x46: {  	[sflag:s22] =	ssyncset.done $0x0  }
0x47: {  	s5 =	simm.s32 $0xA00;
	s6 =	simm.s32 $0x400;
	[sflag:s22] =	ssyncadd.s32 $0xFFFFE000  }
0x48: {  	[tilespmem:s23], [sflag:$0x4] =	stream.indirect.gather [hbm4b:s3+s17], $0x40, s6, s17, $0xb8;
	[tilespmem:$0xB900] =	vst v63  }
0x49: {  	s7 =	sadd.s32 $0x1400, s15;
	s8 =	sadd.s32 $0x1400, s12;
	_ =	swait.ge [sflag:s24], $0x2000  }
0x4a: {  	s10 =	sadd.s32 $0x1400, s10;
	s9 =	sadd.s32 $0x1400, s13;
	[sflag:s24] =	ssyncset.done $0x0  }
0x4b: {  	s16 =	simm.s32 $0x480;
	s6 =	sadd.s32 $0x1400, s14;
	[sflag:s24] =	ssyncadd.s32 $0xFFFFE000  }
.LBB2_2:
0x4c: {  	[tilespmem:s25], [sflag:$0x5] =	stream.indirect.gather [hbm4b:s3+s17], $0x40, s16, s17, $0xb8;
	[tilespmem:$0xB900] =	vst v63  }
0x4d: {  	s16 =	smov.u32 s5  }
0x4e: {  	p0 =	sne.s32 s5, $0x5000;
	s5 =	sadd.s32 $0xA00, s5;
	_ =	swait.ge [sflag:s26], $0x2000  }
0x4f: {  	[sflag:s26] =	ssyncset.done $0x0  }
0x50: {  	[sflag:s26] =	ssyncadd.s32 $0xFFFFE000  }
0x51: {  	[hbm4b:s7+s2] =	stream.linear.scatter [tilespmem:s18], [sflag:$0x6], $0x2000, $0x38;
	[tilespmem:$0xB900] =	vst v63  }
0x52: {  	_ =	swait.ge [sflag:s28], $0x2000  }
0x53: {  	[sflag:s28] =	ssyncset.done $0x0  }
0x54: {  	[sflag:s28] =	ssyncadd.s32 $0xFFFFE000  }
0x55: {  	[hbm4b:s6+s2] =	stream.linear.scatter [tilespmem:s19], [sflag:$0x7], $0x2000, $0x38;
	[tilespmem:$0xB900] =	vst v63  }
0x56: {  	_ =	swait.ge [sflag:s29], $0x2000  }
0x57: {  	[sflag:s29] =	ssyncset.done $0x0  }
0x58: {  	[sflag:s29] =	ssyncadd.s32 $0xFFFFE000  }
0x59: {  	[hbm4b:s9+s2] =	stream.linear.scatter [tilespmem:s21], [sflag:$0x8], $0x2000, $0x38;
	[tilespmem:$0xB900] =	vst v63  }
0x5a: {  	_ =	swait.ge [sflag:s30], $0x2000  }
0x5b: {  	[sflag:s30] =	ssyncset.done $0x0  }
0x5c: {  	[sflag:s30] =	ssyncadd.s32 $0xFFFFE000  }
0x5d: {  	[hbm4b:s8+s2] =	stream.linear.scatter [tilespmem:s23], [sflag:$0x9], $0x2000, $0x38;
	[tilespmem:$0xB900] =	vst v63  }
0x5e: {  	_ =	swait.ge [sflag:s31], $0x2000  }
0x5f: {  	[sflag:s31] =	ssyncset.done $0x0  }
0x60: {  	[sflag:s31] =	ssyncadd.s32 $0xFFFFE000  }
0x61: {  	[hbm4b:s10+s2] =	stream.linear.scatter [tilespmem:s25], [sflag:$0xA], $0x2000, $0x38;
	[tilespmem:$0xB900] =	vst v63  }
0x62: {  	_ =	swait.ge [sflag:s1], $0x2000  }
0x63: {  	s16 =	sshra.s32 s16, $0x2;
	[sflag:s1] =	ssyncset.done $0x0  }
0x64: {  	s11 =	sadd.s32 $0x280, s16;
	[sflag:s1] =	ssyncadd.s32 $0xFFFFE000  }
0x65: {  	[tilespmem:s18], [sflag:$0x1] =	stream.indirect.gather [hbm4b:s3+s17], $0x40, s11, s17, $0xb8;
	[tilespmem:$0xB900] =	vst v63  }
0x66: {  	_ =	swait.ge [sflag:s0], $0x2000  }
0x67: {  	[sflag:s0] =	ssyncset.done $0x0  }
0x68: {  	s11 =	sadd.s32 $0x300, s16;
	[sflag:s0] =	ssyncadd.s32 $0xFFFFE000  }
0x69: {  	[tilespmem:s19], [sflag:$0x2] =	stream.indirect.gather [hbm4b:s3+s17], $0x40, s11, s17, $0xb8;
	[tilespmem:$0xB900] =	vst v63  }
0x6a: {  	_ =	swait.ge [sflag:s20], $0x2000  }
0x6b: {  	[sflag:s20] =	ssyncset.done $0x0  }
0x6c: {  	s11 =	sadd.s32 $0x380, s16;
	[sflag:s20] =	ssyncadd.s32 $0xFFFFE000  }
0x6d: {  	[tilespmem:s21], [sflag:$0x3] =	stream.indirect.gather [hbm4b:s3+s17], $0x40, s11, s17, $0xb8;
	[tilespmem:$0xB900] =	vst v63  }
0x6e: {  	_ =	swait.ge [sflag:s22], $0x2000  }
0x6f: {  	[sflag:s22] =	ssyncset.done $0x0  }
.Ltmp0:
0x70: {  	s11 =	sadd.s32 $0x400, s16;
	[sflag:s22] =	ssyncadd.s32 $0xFFFFE000;
	(pc) =	sbr.rel @p0 .LBB2_2-.Ltmp0, $4  }
0x71: {  	[tilespmem:s23], [sflag:$0x4] =	stream.indirect.gather [hbm4b:s3+s17], $0x40, s11, s17, $0xb8;
	[tilespmem:$0xB900] =	vst v63  }
0x72: {  	s7 =	sadd.s32 $0x1400, s7;
	s6 =	sadd.s32 $0x1400, s6;
	_ =	swait.ge [sflag:s24], $0x2000  }
0x73: {  	s9 =	sadd.s32 $0x1400, s9;
	s8 =	sadd.s32 $0x1400, s8;
	[sflag:s24] =	ssyncset.done $0x0  }
0x74: {  	s10 =	sadd.s32 $0x1400, s10;
	s16 =	sadd.s32 $0x480, s16;
	[sflag:s24] =	ssyncadd.s32 $0xFFFFE000  }
0x75: {  	[tilespmem:s25], [sflag:$0x5] =	stream.indirect.gather [hbm4b:s3+s17], $0x40, s16, s17, $0xb8;
	[tilespmem:$0xB900] =	vst v63  }
0x76: {  	_ =	swait.ge [sflag:s26], $0x2000  }
0x77: {  	[sflag:s26] =	ssyncset.done $0x0  }
0x78: {  	s5 =	rddreg [dreg:$0x4];
	[sflag:s26] =	ssyncadd.s32 $0xFFFFE000  }
0x79: {  	[hbm4b:s5+s2] =	stream.linear.scatter [tilespmem:s18], [sflag:$0x6], $0x2000, $0x38;
	[tilespmem:$0xB900] =	vst v63  }
0x7a: {  	_ =	swait.ge [sflag:s28], $0x2000  }
0x7b: {  	[sflag:s28] =	ssyncset.done $0x0  }
0x7c: {  	s8 =	rddreg [dreg:$0x5];
	[sflag:s28] =	ssyncadd.s32 $0xFFFFE000  }
0x7d: {  	[hbm4b:s8+s2] =	stream.linear.scatter [tilespmem:s19], [sflag:$0x7], $0x2000, $0x38;
	[tilespmem:$0xB900] =	vst v63  }
0x7e: {  	_ =	swait.ge [sflag:s29], $0x2000  }
0x7f: {  	[sflag:s29] =	ssyncset.done $0x0  }
0x80: {  	s9 =	rddreg [dreg:$0x6];
	[sflag:s29] =	ssyncadd.s32 $0xFFFFE000  }
0x81: {  	[hbm4b:s9+s2] =	stream.linear.scatter [tilespmem:s21], [sflag:$0x8], $0x2000, $0x38;
	[tilespmem:$0xB900] =	vst v63  }
0x82: {  	_ =	swait.ge [sflag:s30], $0x2000  }
0x83: {  	[sflag:s30] =	ssyncset.done $0x0  }
0x84: {  	s10 =	rddreg [dreg:$0x7];
	[sflag:s30] =	ssyncadd.s32 $0xFFFFE000  }
0x85: {  	[hbm4b:s10+s2] =	stream.linear.scatter [tilespmem:s23], [sflag:$0x9], $0x2000, $0x38;
	[tilespmem:$0xB900] =	vst v63  }
0x86: {  	_ =	swait.ge [sflag:s31], $0x2000  }
0x87: {  	[sflag:s31] =	ssyncset.done $0x0  }
0x88: {  	s11 =	rddreg [dreg:$0x8];
	[sflag:s31] =	ssyncadd.s32 $0xFFFFE000  }
0x89: {  	[hbm4b:s11+s2] =	stream.linear.scatter [tilespmem:s25], [sflag:$0xA], $0x2000, $0x38;
	[tilespmem:$0xB900] =	vst v63  }
0x8a: {  	_ =	swait.ge [sflag:s1], $0x2000  }
0x8b: {  	[sflag:s1] =	ssyncset.done $0x0  }
0x8c: {  	[sflag:s1] =	ssyncadd.s32 $0xFFFFE000  }
0x8d: {  	_ =	swait.ge [sflag:s0], $0x2000  }
0x8e: {  	[sflag:s0] =	ssyncset.done $0x0  }
0x8f: {  	[sflag:s0] =	ssyncadd.s32 $0xFFFFE000  }
0x90: {  	_ =	swait.ge [sflag:s20], $0x2000  }
0x91: {  	[sflag:s20] =	ssyncset.done $0x0  }
0x92: {  	[sflag:s20] =	ssyncadd.s32 $0xFFFFE000  }
0x93: {  	_ =	swait.ge [sflag:s22], $0x2000  }
0x94: {  	[sflag:s22] =	ssyncset.done $0x0  }
0x95: {  	[sflag:s22] =	ssyncadd.s32 $0xFFFFE000  }
0x96: {  	_ =	swait.ge [sflag:s24], $0x2000  }
0x97: {  	s4 =	sadd.s32 $0x1, s4;
	s16 =	rddreg [dreg:$0x9]  }
0x98: {  	p0 =	sne.s32 s4, s16  }
.Ltmp1:
0x99: {  	_ = 	snop;
	(pc) =	sbr.rel @p0 .LBB2_1-.Ltmp1, $3  }
0x9a: {  	_ =	sdelay $0x1  }
0x9b: {  	[sflag:s24] =	ssyncset.done $0x0  }
0x9c: {  	[sflag:s24] =	ssyncadd.s32 $0xFFFFE000  }
0x9d: {  	_ =	sfence.sel $0x180000  }
0x9e: {  	[bflag:$0x0] =	sbarrier.arrive $0xFFFF  }
0x9f: {  	_ =	strace $0x90000047  }
0xa0: {  	s0 =	stileid.u32;
	[bflag:$0x2] =	sbarrier.arrive $0xFFFF  }
0xa1: {  	p0 =	sne.s32 s0, $0x0;
	s0 =	rddreg [dreg:$0x2]  }
0xa2: {  	s0 =	sadd.s32 @!p0 $0x100000, s0  }
0xa3: {  	[sflag:s0] =	ssyncadd.tile.s32 @!p0 $0x1;
	_ =	shalt  }
.Lfunc_end2:
_tile_overlayer_lowered:
.L_overlay_start_2:
0xa4: {  	(tag) =	ssettag $0x2  }
0xa5: {  	s0 =	rddreg [dreg:$0x0];
	s2 =	stileid.u32  }
0xa6: {  	s1 =	rddreg [dreg:$0x1];
	p0 =	sne.s32 s2, $0x0  }
0xa7: {  	s3 =	rddreg [dreg:$0x2];
	[bflag:$0x3] =	sbarrier.arrive $0xFFFF;
	s2 =	simm.s32 @!p0 $0x1C0B  }
0xa8: {  	[timem:s3], [sflag:s2] =	dma.local @!p0 [hbm:s0], s1  }
0xa9: {  	s0 =	simm.s32 @!p0 $0xB  }
0xaa: {  	_ =	swait.ge @!p0 [sflag:s0], s1  }
0xab: {  	s1 =	ssub.s32 @!p0 $0x0, s1;
	[sflag:s0] =	ssyncset.done @!p0 $0x0  }
0xac: {  	[sflag:s0] =	ssyncadd.s32 @!p0 s1  }
0xad: {  	[bflag:$0x3] =	sbarrier.arrive $0xFFFF  }
0xae: {  	_ =	shalt  }

// kernel: sparse-core-data-format-call.cloned.1.call-start
scs
called_computation_lowered:
.L_overlay_start_0:
0x0: {  	s2 =	sld [smem:$0x3FD9]  }
0x1: {  	s3 =	sld [smem:$0x3FFE];
	_ =	sdelay $0x1  }
0x2: {  	s1 =	srdreg.scid  }
0x3: {  	s0 =	sand.u32 $0x1, s1  }
0x4: {  	s18 =	sshll.u32 s0, $0xA;
	s2 =	sadd.s32 s3, s2  }
0x5: {  	s2 =	sadd.s32 s2, s18  }
0x6: {  	[smem:$0x3FC6] =	sst s2  }
0x7: {  	_ = 	snop  }
0x8: {  	s2 =	sld [smem:$0x3FD0];
	(tm) =	ssettm $0x1  }
0x9: {  	s19 =	sld [smem:$0x3FFB];
	_ =	sdelay $0x3  }
0xa: {  	_ =	strace s19  }
0xb: {  	s3 =	sld [smem:$0x3FFC];
	_ =	sdelay $0x3  }
0xc: {  	_ =	strace s3  }
0xd: {  	s3 =	sld [smem:$0x3FFD];
	_ =	sdelay $0x3  }
0xe: {  	_ =	strace s3  }
0xf: {  	_ =	strace $0x8FFFFFFF  }
0x10: {  	s20 =	sld [smem:$0x3FDB];
	_ =	sdelay $0x1  }
0x11: {  	s4 =	simm.s32 $_scs_section_size  }
0x12: {  	s5 =	simm.s32 $_size__tile_overlayer_lowered;
	s6 =	simm.s32 $_tile_overlayer_lowered  }
0x13: {  	s23 =	simm.s32 $0x1BFF;
	s22 =	sshll.u32 s6, $0x1;
	s3 =	sadd.s32 s4, s20  }
0x14: {  	s7 =	simm.s32 $0x0;
	s21 =	sshll.u32 s5, $0x1;
	s5 =	sadd.s32 s22, s3  }
0x15: {  	[timem:s7], [sflag:s23] =	dma.local [hbm:s5], s21  }
0x16: {  	_ =	swait.ge [sflag:s23], s21  }
0x17: {  	s4 =	ssub.s32 $0x0, s21;
	[sflag:s23] =	ssyncset.done $0x0  }
0x18: {  	[sflag:s23] =	ssyncadd.s32 s4;
	_ =	sdelay $0x1  }
0x19: {  	s24 =	simm.s32 $0x1B8B  }
0x1a: {  	_ =	swait.ge [sflag:s24], $0x1  }
0x1b: {  	[sflag:s24] =	ssyncset.done $0x0  }
0x1c: {  	s26 =	simm.s32 $0x1B8E;
	s25 =	sld [smem:$0x3FFE];
	[sflag:s24] =	ssyncadd.s32 $0xFFFFFFFF  }
0x1d: {  	s27 =	simm.s32 $execute0_lowered;
	[smem:$0x3FD2] =	sst s26  }
0x1e: {  	s5 =	sshll.u32 s27, $0x1;
	_ =	strace $0x80000049;
	[dreg:$0x1] =	wrdreg $0xFFFFFFFF  }
0x1f: {  	s28 =	simm.s32 $_size_execute0_lowered;
	s3 =	sadd.s32 s3, s5;
	[dreg:$0x0] =	wrdreg $0x0  }
0x20: {  	s5 =	sshll.u32 s28, $0x1;
	[dreg:$0x2] =	wrdreg s3  }
0x21: {  	[dreg:$0x3] =	wrdreg s5  }
0x22: {  	[dreg:$0x4] =	wrdreg $0xC0  }
0x23: {  	_ =	task [dreg:s7], $0x5FFFF  }
0x24: {  	[dreg:$0x1] =	wrdreg $0xFFFFFFFF  }
0x25: {  	[dreg:$0x0] =	wrdreg $0x60  }
0x26: {  	[dreg:$0x2] =	wrdreg s25  }
0x27: {  	[dreg:$0x3] =	wrdreg s2  }
0x28: {  	[dreg:$0x4] =	wrdreg $0x9  }
0x29: {  	_ =	task.clear_ibuf [dreg:s7], $0x5FFFF;
	_ =	strace $0x90000049  }
0x2a: {  	s29 =	simm.s32 $0x9;
	_ =	strace $0x8000004B  }
0x2b: {  	_ =	swait.ge [sflag:s29], $0x1  }
0x2c: {  	[sflag:s29] =	ssyncadd.s32 $0xFFFFFFFF  }
0x2d: {  	_ =	strace $0x9000004B  }
0x2e: {  	_ =	sfence  }
0x2f: {  	s30 =	sld [smem:$0x0];
	_ =	sdelay $0x2  }
0x30: {  	s31 =	sshll.u32 s1, $0xD;
	s1 =	sshrl.u32 s1, $0x2  }
0x31: {  	s3 =	sand.u32 $0x4000, s31;
	s1 =	sadd.s32 s1, s30  }
0x32: {  	s0 =	sor.u32 s3, s0;
	s1 =	sshll.u32 s1, $0x11  }
0x33: {  	s0 =	sor.u32 s1, s0  }
0x34: {  	s0 =	sadd.s32 $0x8F2B, s0  }
0x35: {  	[sflag:s0] =	ssyncadd.remote.s32 $0x1  }
0x36: {  	_ =	sfence.sel $0xFFFF  }
0x37: {  	[dreg:$0x0] =	wrdreg $0xFFFFFFFF;
	(pc) =	sbr.abs _section_cstart, $3  }
0x38: {  	[dreg:$0x1] =	wrdreg $0xFFFFFFFF  }
0x39: {  	_ =	task.clear_ibuf [dreg:s7], $0x2FFFF;
	_ =	strace $0x9FFFFFFF  }
0x3a: {  	(tm) =	ssettm $0x7FFFFFFF  }
0x3b: {  	_ =	shalt  }
tec
execute0_lowered:
.L_overlay_start_1:
0x0: {  	(tag) =	ssettag $0x1  }
0x1: {  	s0 =	srdreg.scid  }
0x2: {  	s1 =	sshll.u32 s0, $0x4  }
0x3: {  	s5 =	rddreg [dreg:$0x0];
	s0 =	stileid.u32;
	s1 =	sand.u32 $0x10, s1  }
0x4: {  	s3 =	rddreg [dreg:$0x1];
	s31 =	simm.s32 $0x2;
	s4 =	sor.u32 s0, s1  }
0x5: {  	s13 =	simm.s32 $0x0;
	s9 =	simm.s32 $0x400;
	s2 =	sshll.u32 s4, $0x7  }
0x6: {  	s10 =	simm.s32 $0x8000;
	s14 =	simm.s32 $0x0;
	s6 =	ssub.s32 $0x1000, s2  }
0x7: {  	s1 =	rddreg [dreg:$0x2];
	_ =	strace $0x8000004A;
	s7 =	sand.u32 $0xF80, s6  }
0x8: {  	s4 =	sshll.u32 s4, $0xB;
	p0 =	sne.s32 s7, $0x0;
	s7 =	simm.s32 $0x1  }
.Ltmp0:
0x9: {  	s6 =	sshrl.u32 s6, $0xC;
	s7 =	simm.s32 @!p0 $0x0;
	(pc) =	sbr.rel .LBB1_1-.Ltmp0, $4  }
0xa: {  	s8 =	sadd.s32 s4, s5;
	s4 =	simm.s32 $0x1;
	s30 =	sadd.s32 s7, s6  }
0xb: {  	s11 =	simm.s32 $0x0;
	[sflag:s4] =	ssyncpa.u1 $0x0;
	s5 =	smul.u32 $0x19, s30  }
0xc: {  	s12 =	simm.s32 $0x0;
	[sflag:s31] =	ssyncpa.u1 $0x0;
	p0 =	por $0x0, $0x0  }
0xd: {  	s6 =	sadd.s32 $0xA00, s8;
	s7 =	sadd.s32 $0x10A00, s8;
	s8 =	sadd.s32 $0x1, s5  }
.LBB1_7:
0xe: {  	s15 =	sadd.s32 $0x2, s11  }
0xf: {  	p2 =	sgt.s32 s15, $0x31  }
0x10: {  	s15 =	simm.s32 @p2 $0x0;
	p2 =	sne.s32 s12, s8  }
.Ltmp1:
0x11: {  	p1 =	slt.u32 s12, $0x2;
	(pc) =	sbr.rel @!p2 .LBB1_8-.Ltmp1, $4  }
0x12: {  	s13 =	simm.s32 @!p1 $0x2  }
0x13: {  	s16 =	sadd.s32 $0x1, s12;
	s14 =	smov.u32 s11;
	_ =	swait.ge @!p1 [sflag:s13], $0x4000  }
0x14: {  	p0 =	por !p0, !p0;
	s12 =	smov.u32 s16;
	[sflag:s13] =	ssyncset.done @!p1 $0x0  }
0x15: {  	s11 =	smov.u32 s15;
	[sflag:s13] =	ssyncadd.s32 @!p1 $0xFFFFC000;
	s13 =	smov.u32 s2  }
.LBB1_1:
0x16: {  	p1 =	sge.u32 s12, s5  }
0x17: {  	s15 =	sxor.u32 @!p1 $0xFFFFFFFF, s12  }
0x18: {  	s16 =	sshll.u32 @!p1 s11, $0x10;
	s18 =	simm.s32 @!p1 $0x40;
	s15 =	sshll.u32 @!p1 s15, $0xE  }
0x19: {  	s19 =	simm.s32 @!p1 $0x80;
	s17 =	sadd.s32 @!p1 s16, s6;
	s15 =	sand.u32 @!p1 $0x4000, s15  }
0x1a: {  	[tilespmem:s15], [sflag:$0x1] =	stream.strided.gather @!p1 [hbm4b:s17+s18], $0x2000, s19, s18, $0x38;
	[tilespmem:$0x10100] =	vst v63  }
0x1b: {  	s31 =	sadd.s32 $0xFFFFFFFF, s12;
	s16 =	sadd.s32 @!p1 s16, s7;
	s15 =	sor.u32 @!p1 $0x2000, s15  }
0x1c: {  	[tilespmem:s15], [sflag:$0x1] =	stream.strided.gather @!p1 [hbm4b:s16+s18], $0x2000, s19, s18, $0x38;
	[tilespmem:$0x10100] =	vst v63  }
0x1d: {  	p1 =	sge.u32 s31, s5  }
.Ltmp2:
0x1e: {  	_ = 	snop;
	(pc) =	sbr.rel @p1 .LBB1_7-.Ltmp2, $1  }
0x1f: {  	_ =	sdelay $0x3  }
0x20: {  	s15 =	simm.s32 $0x1;
	s17 =	sand.u32 $0x1, s12  }
0x21: {  	_ =	swait.ge [sflag:s4], $0x4000;
	s15 =	simm.s32 @!p0 $0x0;
	s17 =	smul.u32 $0x10200, s17  }
0x22: {  	p2 =	por $0x1, $0x1;
	[sflag:s4] =	ssyncset.done $0x0;
	s16 =	smul.u32 $0x10200, s15  }
0x23: {  	s18 =	sshll.u32 s15, $0x10;
	[sflag:s4] =	ssyncadd.s32 $0xFFFFC000;
	s30 =	sshrl.u32 s17, $0x2  }
0x24: {  	s31 =	sshrl.u32 s18, $0x2;
	s18 =	simm.s32 $0x0;
	s16 =	sshrl.u32 s16, $0x2  }
0x25: {  	s15 =	sor.u32 $0x8000, s30;
	s17 =	sadd.s32 $0x20, s31;
	s16 =	sor.u32 $0x8000, s16  }
.LBB1_3:
0x26: {  	s19 =	sshll.u32 s18, $0xD  }
0x27: {  	s19 =	sand.u32 $0x3FFFE000, s19  }
0x28: {  	s21 =	sadd.s32 s19, s17  }
0x29: {  	s31 =	smul.u32 $0x8100, s18;
	v3 =	vld [tilespmem:s21+$0x10]  }
0x2a: {  	v1 =	vld [tilespmem:s21+$0xFFFFFFF0]  }
0x2b: {  	s18 =	sshra.s32 s31, $0x2;
	v0 =	vld [tilespmem:s21+$0x0]  }
0x2c: {  	s18 =	sadd.s32 s18, s16;
	v2 =	vld [tilespmem:s21+$0xFFFFFFE0]  }
0x2d: {  	s19 =	sadd.s32 $0x0, s18  }
0x2e: {  	p1 =	por p2, p2;
	s20 =	simm.s32 $0x4;
	s21 =	sadd.s32 $0x40, s21;
	[tilespmem:s19+$0x1830 ss:$0x81] =	vst.msk $0xffff, v3  }
.LBB1_4:
0x2f: {  	v3 =	vld [tilespmem:s21+$0x10];
	p2 =	sne.s32 s20, $0x1FC;
	[tilespmem:s19+$0x810 ss:$0x81] =	vst.msk $0xffff, v1;
	s22 =	smov.u32 s20;
	s20 =	sadd.s32 $0x4, s20  }
.Ltmp3:
0x30: {  	v1 =	vld [tilespmem:s21+$0xFFFFFFF0];
	[tilespmem:s19+$0x1020 ss:$0x81] =	vst.msk $0xffff, v0;
	(pc) =	sbr.rel @p2 .LBB1_4-.Ltmp3, $4  }
0x31: {  	v0 =	vld [tilespmem:s21+$0x0];
	[tilespmem:s19+$0x0 ss:$0x81] =	vst.msk $0xffff, v2  }
0x32: {  	s19 =	sshra.s32 s22, $0x2;
	v2 =	vld [tilespmem:s21+$0xFFFFFFE0]  }
0x33: {  	s19 =	sadd.s32 s19, s18  }
0x34: {  	s21 =	sadd.s32 $0x40, s21;
	[tilespmem:s19+$0x1830 ss:$0x81] =	vst.msk $0xffff, v3  }
.Ltmp4:
0x35: {  	(pc) =	sbr.rel @p1 .LBB1_3-.Ltmp4, $4  }
0x36: {  	_ = 	snop  }
0x37: {  	[tilespmem:s19+$0x810 ss:$0x81] =	vst.msk $0xffff, v1  }
0x38: {  	[tilespmem:s19+$0x1020 ss:$0x81] =	vst.msk $0xffff, v0  }
0x39: {  	s18 =	simm.s32 $0x1;
	p2 =	por $0x0, $0x0;
	[tilespmem:s19+$0x0 ss:$0x81] =	vst.msk $0xffff, v2  }
.Ltmp5:
0x3a: {  	(pc) =	sbr.rel .LBB1_7-.Ltmp5, $4  }
0x3b: {  	s14 =	sshll.u32 s14, $0xF  }
0x3c: {  	s14 =	sadd.s32 s3, s14  }
0x3d: {  	s13 =	sadd.s32 s13, s14  }
0x3e: {  	[hbm4b:s13+s9] =	stream.strided.scatter [tilespmem:s15], [sflag:$0x2], $0x4000, s10, s9, $0x20;
	[tilespmem:$0x10100] =	vst v63  }
.LBB1_8:
0x3f: {  	_ =	sfence.sel $0x180000  }
0x40: {  	s2 =	simm.s32 $0x1;
	[bflag:$0x0] =	sbarrier.arrive $0xFFFF  }
0x41: {  	s31 =	simm.s32 $0x2;
	[sflag:s2] =	ssyncpa.u1 $0x1  }
0x42: {  	[sflag:s31] =	ssyncpa.u1 $0x1  }
0x43: {  	p0 =	sne.s32 s0, $0x0;
	_ =	strace $0x9000004A  }
0x44: {  	s0 =	sadd.s32 @!p0 $0x100000, s1;
	[bflag:$0x2] =	sbarrier.arrive $0xFFFF  }
0x45: {  	[sflag:s0] =	ssyncadd.tile.s32 @!p0 $0x1;
	_ =	shalt  }
.Lfunc_end1:
_tile_overlayer_lowered:
.L_overlay_start_2:
0x46: {  	(tag) =	ssettag $0x2  }
0x47: {  	s0 =	rddreg [dreg:$0x0];
	s2 =	stileid.u32  }
0x48: {  	s1 =	rddreg [dreg:$0x1];
	p0 =	sne.s32 s2, $0x0  }
0x49: {  	s3 =	rddreg [dreg:$0x2];
	[bflag:$0x3] =	sbarrier.arrive $0xFFFF;
	s2 =	simm.s32 @!p0 $0x1C01  }
0x4a: {  	[timem:s3], [sflag:s2] =	dma.local @!p0 [hbm:s0], s1  }
0x4b: {  	s0 =	simm.s32 @!p0 $0x1  }
0x4c: {  	_ =	swait.ge @!p0 [sflag:s0], s1  }
0x4d: {  	s1 =	ssub.s32 @!p0 $0x0, s1;
	[sflag:s0] =	ssyncset.done @!p0 $0x0  }
0x4e: {  	[sflag:s0] =	ssyncadd.s32 @!p0 s1  }
0x4f: {  	[bflag:$0x3] =	sbarrier.arrive $0xFFFF  }
0x50: {  	_ =	shalt  }

</sc_bundles>
